<compile_context>
chip_gen: v7x
topology: tpu7x:2x2x1
jax: 0.10.2.dev20260603
libtpu: 0.0.44.dev20260713+nightly
codegen_flags: <defaults>
</compile_context>

<pallas_src>
import functools

import jax
import jax.numpy as jnp
from jax import lax
from jax.experimental import pallas as pl
from jax.experimental.pallas import tpu as pltpu
from jax.experimental.pallas import tpu_sc as plsc

HIDDEN = 1024
NC, NS = 2, 16
NW = NC * NS
B = 4 * 4096
B_PER_W = B // NW
CHUNK = 32
NCHUNK = B_PER_W // CHUNK
NBUF = 3

_mesh = plsc.VectorSubcoreMesh(core_axis_name="c", subcore_axis_name="s")


@functools.partial(
    pl.kernel,
    mesh=_mesh,
    out_type=jax.ShapeDtypeStruct((B, HIDDEN), jnp.float32),
    scratch_types=[
        pltpu.VMEM((NCHUNK, CHUNK), jnp.int32),
        *[pltpu.VMEM((CHUNK, HIDDEN), jnp.float32) for _ in range(NBUF)],
        pltpu.SemaphoreType.DMA,
        pltpu.SemaphoreType.DMA,
    ],
)
def _gather_kernel(idx_hbm, table_hbm, out_hbm, idx_v, b0, b1, b2, sem_g, sem_w):
    wid = lax.axis_index("s") * NC + lax.axis_index("c")
    base = wid * B_PER_W
    pltpu.sync_copy(idx_hbm.at[wid], idx_v)

    bufs = [b0, b1, b2]
    g = [None] * NCHUNK
    w = [None] * NCHUNK
    w_waited = [False] * NCHUNK

    def fire_gather(j):
        g[j] = pltpu.async_copy(table_hbm.at[idx_v.at[j]], bufs[j % NBUF], sem_g)

    for j in range(min(NBUF - 1, NCHUNK)):
        fire_gather(j)

    for j in range(NCHUNK):
        g[j].wait()
        nj = j + NBUF - 1
        if nj < NCHUNK:
            if j >= 1:
                w[j - 1].wait()
                w_waited[j - 1] = True
            fire_gather(nj)
        w[j] = pltpu.async_copy(
            bufs[j % NBUF], out_hbm.at[pl.ds(base + j * CHUNK, CHUNK)], sem_w)

    for j in range(NCHUNK):
        if not w_waited[j]:
            w[j].wait()


def kernel(input, weight):
    idx = input.reshape(NW, NCHUNK, CHUNK)
    out = _gather_kernel(idx, weight)
    return out.reshape(input.shape[0], input.shape[1], HIDDEN)

# --- scband reference (transcript-rebuilt; emitter-appended) ---
"""Pipeline reference for scband-deep-seek-embedding-13950053777722 (READ-ONLY COPY).

The authoritative reference and input builder live on the scoring server;
editing this copy changes nothing except your own understanding.
"""

import jax, jax.numpy as jnp
import numpy as np

VOCAB = 100000
HIDDEN = 1024
TP = 1


def setup_inputs(seed: int = 0) -> dict:
    key = jax.random.key(seed)
    k1, k2 = jax.random.split(key)
    inp = jax.random.randint(k1, (4, 4096), 0, VOCAB, dtype=jnp.int64 if jax.config.jax_enable_x64 else jnp.int32).astype(jnp.int32)
    weight = jax.random.normal(k2, (VOCAB, HIDDEN), dtype=jnp.float32) * 0.02
    return {"input": inp, "weight": weight}


def reference(input, weight):
    # tp == 1 path: no masking needed
    if TP > 1:
        shard_vocab = -(-VOCAB // TP)
        input_mask = (input < 0) | (input >= shard_vocab)
        masked_input = jnp.where(input_mask, 0, input)
    else:
        masked_input = input
    embeddings = jnp.take(weight, masked_input, axis=0)
    return embeddings

if __name__ == "__main__":
    import jax
    _d = setup_inputs()
    print(jax.jit(kernel)(*tuple(_d.values())))

</pallas_src>

<mosaic_0001>
#map = affine_map<(d0, d1) -> (0, 0, 0)>
#map1 = affine_map<(d0, d1) -> (0, 0)>
module attributes {stable_mosaic.version = 14 : i64} {
  func.func @_gather_kernel(%arg0: i32, %arg1: i32, %arg2: memref<32x16x32xi32, #tpu.memory_space<hbm>>, %arg3: memref<100000x1024xf32, #tpu.memory_space<hbm>>, %arg4: memref<16384x1024xf32, #tpu.memory_space<hbm>>, %arg5: memref<16x32xi32, #tpu.memory_space<vmem>>, %arg6: memref<32x1024xf32, #tpu.memory_space<vmem>>, %arg7: memref<32x1024xf32, #tpu.memory_space<vmem>>, %arg8: memref<32x1024xf32, #tpu.memory_space<vmem>>, %arg9: memref<!tpu.dma_semaphore, #tpu.memory_space<semaphore_mem>>, %arg10: memref<!tpu.dma_semaphore, #tpu.memory_space<semaphore_mem>>) attributes {dimension_semantics = [#tpu.dimension_semantics<core_parallel>, #tpu.dimension_semantics<subcore_parallel>], iteration_bounds = array<i64: 2, 16>, scalar_prefetch = 0 : i64, scratch_operands = 6 : i64, tpu.core_type = #tpu.core_type<sc_vector_subcore>, window_params = [{transform_indices = #map}, {transform_indices = #map1}, {transform_indices = #map1}]} {
    %mul3A = arith.constant 2 : i32
    %mul3A_0 = arith.muli %arg1, %mul3A : i32
    %add3A = arith.addi %mul3A_0, %arg0 : i32
    %mul3A_1 = arith.constant 512 : i32
    %mul3A_2 = arith.muli %add3A, %mul3A_1 : i32
    "tpu.region"() ({
      %run_scoped3A = tpu.sem_alloc : memref<!tpu.dma_semaphore, #tpu.memory_space<semaphore_mem>>
      %dma_start3A_385 = arith.constant 0 : i32
      %dma_start3A_386 = arith.constant 0 : i32
      %dma_start3A_387 = tpu.memref_slice %arg2[%add3A, %dma_start3A_385, %dma_start3A_386] : memref<32x16x32xi32, #tpu.memory_space<hbm>> -> memref<1x16x32xi32, #tpu.memory_space<hbm>>
      %dma_start3A_388 = tpu.memref_squeeze %dma_start3A_387 : memref<1x16x32xi32, #tpu.memory_space<hbm>> -> memref<16x32xi32, #tpu.memory_space<hbm>>
      %dma_start3A_389 = arith.constant 0 : i32
      %dma_start3A_390 = arith.constant 0 : i32
      %dma_start3A_391 = tpu.memref_slice %arg2[%add3A, %dma_start3A_389, %dma_start3A_390] : memref<32x16x32xi32, #tpu.memory_space<hbm>> -> memref<1x16x32xi32, #tpu.memory_space<hbm>>
      %dma_start3A_392 = tpu.memref_squeeze %dma_start3A_391 : memref<1x16x32xi32, #tpu.memory_space<hbm>> -> memref<16x32xi32, #tpu.memory_space<hbm>>
      tpu.enqueue_dma source(%dma_start3A_392 : memref<16x32xi32, #tpu.memory_space<hbm>>) target(%arg5 : memref<16x32xi32, #tpu.memory_space<vmem>>) target_semaphore(%run_scoped3A : memref<!tpu.dma_semaphore, #tpu.memory_space<semaphore_mem>>)
      %dma_wait3A_393 = arith.constant 0 : i32
      %dma_wait3A_394 = arith.constant 0 : i32
      %dma_wait3A_395 = tpu.memref_slice %arg2[%add3A, %dma_wait3A_393, %dma_wait3A_394] : memref<32x16x32xi32, #tpu.memory_space<hbm>> -> memref<1x16x32xi32, #tpu.memory_space<hbm>>
      %dma_wait3A_396 = tpu.memref_squeeze %dma_wait3A_395 : memref<1x16x32xi32, #tpu.memory_space<hbm>> -> memref<16x32xi32, #tpu.memory_space<hbm>>
      %dma_wait3A_397 = arith.constant 0 : i32
      %dma_wait3A_398 = arith.constant 0 : i32
      %dma_wait3A_399 = tpu.memref_slice %arg2[%add3A, %dma_wait3A_397, %dma_wait3A_398] : memref<32x16x32xi32, #tpu.memory_space<hbm>> -> memref<1x16x32xi32, #tpu.memory_space<hbm>>
      %dma_wait3A_400 = tpu.memref_squeeze %dma_wait3A_399 : memref<1x16x32xi32, #tpu.memory_space<hbm>> -> memref<16x32xi32, #tpu.memory_space<hbm>>
      tpu.wait_dma2 semaphore(%run_scoped3A : memref<!tpu.dma_semaphore, #tpu.memory_space<semaphore_mem>>) src(%dma_wait3A_400 : memref<16x32xi32, #tpu.memory_space<hbm>>) dst(%arg5 : memref<16x32xi32, #tpu.memory_space<vmem>>)
      tpu.yield
    }) : () -> ()
    %dma_start3A = arith.constant 0 : i32
    %dma_start3A_3 = arith.constant 0 : i32
    %dma_start3A_4 = tpu.memref_slice %arg5[%dma_start3A, %dma_start3A_3] : memref<16x32xi32, #tpu.memory_space<vmem>> -> memref<1x32xi32, #tpu.memory_space<vmem>>
    %dma_start3A_5 = tpu.memref_squeeze %dma_start3A_4 : memref<1x32xi32, #tpu.memory_space<vmem>> -> memref<32xi32, #tpu.memory_space<vmem>>
    %dma_start3A_6 = arith.constant 0 : i32
    %dma_start3A_7 = arith.constant 0 : i32
    %dma_start3A_8 = tpu.memref_slice %arg3[%dma_start3A_6, %dma_start3A_7] : memref<100000x1024xf32, #tpu.memory_space<hbm>> -> memref<100000x1024xf32, #tpu.memory_space<hbm>>
    tpu.enqueue_indirect_dma source(%dma_start3A_8 : memref<100000x1024xf32, #tpu.memory_space<hbm>>) target(%arg6 : memref<32x1024xf32, #tpu.memory_space<vmem>>) offsets(%dma_start3A_5 : memref<32xi32, #tpu.memory_space<vmem>>) semaphore(%arg9 : memref<!tpu.dma_semaphore, #tpu.memory_space<semaphore_mem>>)
    %dma_start3A_9 = arith.constant 1 : i32
    %dma_start3A_10 = arith.constant 0 : i32
    %dma_start3A_11 = tpu.memref_slice %arg5[%dma_start3A_9, %dma_start3A_10] : memref<16x32xi32, #tpu.memory_space<vmem>> -> memref<1x32xi32, #tpu.memory_space<vmem>>
    %dma_start3A_12 = tpu.memref_squeeze %dma_start3A_11 : memref<1x32xi32, #tpu.memory_space<vmem>> -> memref<32xi32, #tpu.memory_space<vmem>>
    %dma_start3A_13 = arith.constant 0 : i32
    %dma_start3A_14 = arith.constant 0 : i32
    %dma_start3A_15 = tpu.memref_slice %arg3[%dma_start3A_13, %dma_start3A_14] : memref<100000x1024xf32, #tpu.memory_space<hbm>> -> memref<100000x1024xf32, #tpu.memory_space<hbm>>
    tpu.enqueue_indirect_dma source(%dma_start3A_15 : memref<100000x1024xf32, #tpu.memory_space<hbm>>) target(%arg7 : memref<32x1024xf32, #tpu.memory_space<vmem>>) offsets(%dma_start3A_12 : memref<32xi32, #tpu.memory_space<vmem>>) semaphore(%arg9 : memref<!tpu.dma_semaphore, #tpu.memory_space<semaphore_mem>>)
    %dma_wait3A = arith.constant 0 : i32
    %dma_wait3A_16 = arith.constant 0 : i32
    %dma_wait3A_17 = tpu.memref_slice %arg5[%dma_wait3A, %dma_wait3A_16] : memref<16x32xi32, #tpu.memory_space<vmem>> -> memref<1x32xi32, #tpu.memory_space<vmem>>
    %dma_wait3A_18 = tpu.memref_squeeze %dma_wait3A_17 : memref<1x32xi32, #tpu.memory_space<vmem>> -> memref<32xi32, #tpu.memory_space<vmem>>
    %dma_wait3A_19 = arith.constant 0 : i32
    %dma_wait3A_20 = arith.constant 0 : i32
    %dma_wait3A_21 = tpu.memref_slice %arg3[%dma_wait3A_19, %dma_wait3A_20] : memref<100000x1024xf32, #tpu.memory_space<hbm>> -> memref<100000x1024xf32, #tpu.memory_space<hbm>>
    tpu.wait_indirect_dma semaphore(%arg9 : memref<!tpu.dma_semaphore, #tpu.memory_space<semaphore_mem>>) src(%dma_wait3A_21 : memref<100000x1024xf32, #tpu.memory_space<hbm>>) dst(%arg6 : memref<32x1024xf32, #tpu.memory_space<vmem>>)
    %dma_start3A_22 = arith.constant 2 : i32
    %dma_start3A_23 = arith.constant 0 : i32
    %dma_start3A_24 = tpu.memref_slice %arg5[%dma_start3A_22, %dma_start3A_23] : memref<16x32xi32, #tpu.memory_space<vmem>> -> memref<1x32xi32, #tpu.memory_space<vmem>>
    %dma_start3A_25 = tpu.memref_squeeze %dma_start3A_24 : memref<1x32xi32, #tpu.memory_space<vmem>> -> memref<32xi32, #tpu.memory_space<vmem>>
    %dma_start3A_26 = arith.constant 0 : i32
    %dma_start3A_27 = arith.constant 0 : i32
    %dma_start3A_28 = tpu.memref_slice %arg3[%dma_start3A_26, %dma_start3A_27] : memref<100000x1024xf32, #tpu.memory_space<hbm>> -> memref<100000x1024xf32, #tpu.memory_space<hbm>>
    tpu.enqueue_indirect_dma source(%dma_start3A_28 : memref<100000x1024xf32, #tpu.memory_space<hbm>>) target(%arg8 : memref<32x1024xf32, #tpu.memory_space<vmem>>) offsets(%dma_start3A_25 : memref<32xi32, #tpu.memory_space<vmem>>) semaphore(%arg9 : memref<!tpu.dma_semaphore, #tpu.memory_space<semaphore_mem>>)
    %add3A_29 = arith.constant 0 : i32
    %add3A_30 = arith.addi %mul3A_2, %add3A_29 : i32
    %dma_start3A_31 = arith.constant 0 : i32
    %dma_start3A_32 = tpu.memref_slice %arg4[%add3A_30, %dma_start3A_31] : memref<16384x1024xf32, #tpu.memory_space<hbm>> -> memref<32x1024xf32, #tpu.memory_space<hbm>>
    %dma_start3A_33 = arith.constant 0 : i32
    %dma_start3A_34 = tpu.memref_slice %arg4[%add3A_30, %dma_start3A_33] : memref<16384x1024xf32, #tpu.memory_space<hbm>> -> memref<32x1024xf32, #tpu.memory_space<hbm>>
    tpu.enqueue_dma source(%arg6 : memref<32x1024xf32, #tpu.memory_space<vmem>>) target(%dma_start3A_34 : memref<32x1024xf32, #tpu.memory_space<hbm>>) target_semaphore(%arg10 : memref<!tpu.dma_semaphore, #tpu.memory_space<semaphore_mem>>)
    %dma_wait3A_35 = arith.constant 1 : i32
    %dma_wait3A_36 = arith.constant 0 : i32
    %dma_wait3A_37 = tpu.memref_slice %arg5[%dma_wait3A_35, %dma_wait3A_36] : memref<16x32xi32, #tpu.memory_space<vmem>> -> memref<1x32xi32, #tpu.memory_space<vmem>>
    %dma_wait3A_38 = tpu.memref_squeeze %dma_wait3A_37 : memref<1x32xi32, #tpu.memory_space<vmem>> -> memref<32xi32, #tpu.memory_space<vmem>>
    %dma_wait3A_39 = arith.constant 0 : i32
    %dma_wait3A_40 = arith.constant 0 : i32
    %dma_wait3A_41 = tpu.memref_slice %arg3[%dma_wait3A_39, %dma_wait3A_40] : memref<100000x1024xf32, #tpu.memory_space<hbm>> -> memref<100000x1024xf32, #tpu.memory_space<hbm>>
    tpu.wait_indirect_dma semaphore(%arg9 : memref<!tpu.dma_semaphore, #tpu.memory_space<semaphore_mem>>) src(%dma_wait3A_41 : memref<100000x1024xf32, #tpu.memory_space<hbm>>) dst(%arg7 : memref<32x1024xf32, #tpu.memory_space<vmem>>)
    %dma_wait3A_42 = arith.constant 0 : i32
    %dma_wait3A_43 = tpu.memref_slice %arg4[%add3A_30, %dma_wait3A_42] : memref<16384x1024xf32, #tpu.memory_space<hbm>> -> memref<32x1024xf32, #tpu.memory_space<hbm>>
    %dma_wait3A_44 = arith.constant 0 : i32
    %dma_wait3A_45 = tpu.memref_slice %arg4[%add3A_30, %dma_wait3A_44] : memref<16384x1024xf32, #tpu.memory_space<hbm>> -> memref<32x1024xf32, #tpu.memory_space<hbm>>
    tpu.wait_dma2 semaphore(%arg10 : memref<!tpu.dma_semaphore, #tpu.memory_space<semaphore_mem>>) src(%arg6 : memref<32x1024xf32, #tpu.memory_space<vmem>>) dst(%dma_wait3A_45 : memref<32x1024xf32, #tpu.memory_space<hbm>>)
    %dma_start3A_46 = arith.constant 3 : i32
    %dma_start3A_47 = arith.constant 0 : i32
    %dma_start3A_48 = tpu.memref_slice %arg5[%dma_start3A_46, %dma_start3A_47] : memref<16x32xi32, #tpu.memory_space<vmem>> -> memref<1x32xi32, #tpu.memory_space<vmem>>
    %dma_start3A_49 = tpu.memref_squeeze %dma_start3A_48 : memref<1x32xi32, #tpu.memory_space<vmem>> -> memref<32xi32, #tpu.memory_space<vmem>>
    %dma_start3A_50 = arith.constant 0 : i32
    %dma_start3A_51 = arith.constant 0 : i32
    %dma_start3A_52 = tpu.memref_slice %arg3[%dma_start3A_50, %dma_start3A_51] : memref<100000x1024xf32, #tpu.memory_space<hbm>> -> memref<100000x1024xf32, #tpu.memory_space<hbm>>
    tpu.enqueue_indirect_dma source(%dma_start3A_52 : memref<100000x1024xf32, #tpu.memory_space<hbm>>) target(%arg6 : memref<32x1024xf32, #tpu.memory_space<vmem>>) offsets(%dma_start3A_49 : memref<32xi32, #tpu.memory_space<vmem>>) semaphore(%arg9 : memref<!tpu.dma_semaphore, #tpu.memory_space<semaphore_mem>>)
    %add3A_53 = arith.constant 32 : i32
    %add3A_54 = arith.addi %mul3A_2, %add3A_53 : i32
    %dma_start3A_55 = arith.constant 0 : i32
    %dma_start3A_56 = tpu.memref_slice %arg4[%add3A_54, %dma_start3A_55] : memref<16384x1024xf32, #tpu.memory_space<hbm>> -> memref<32x1024xf32, #tpu.memory_space<hbm>>
    %dma_start3A_57 = arith.constant 0 : i32
    %dma_start3A_58 = tpu.memref_slice %arg4[%add3A_54, %dma_start3A_57] : memref<16384x1024xf32, #tpu.memory_space<hbm>> -> memref<32x1024xf32, #tpu.memory_space<hbm>>
    tpu.enqueue_dma source(%arg7 : memref<32x1024xf32, #tpu.memory_space<vmem>>) target(%dma_start3A_58 : memref<32x1024xf32, #tpu.memory_space<hbm>>) target_semaphore(%arg10 : memref<!tpu.dma_semaphore, #tpu.memory_space<semaphore_mem>>)
    %dma_wait3A_59 = arith.constant 2 : i32
    %dma_wait3A_60 = arith.constant 0 : i32
    %dma_wait3A_61 = tpu.memref_slice %arg5[%dma_wait3A_59, %dma_wait3A_60] : memref<16x32xi32, #tpu.memory_space<vmem>> -> memref<1x32xi32, #tpu.memory_space<vmem>>
    %dma_wait3A_62 = tpu.memref_squeeze %dma_wait3A_61 : memref<1x32xi32, #tpu.memory_space<vmem>> -> memref<32xi32, #tpu.memory_space<vmem>>
    %dma_wait3A_63 = arith.constant 0 : i32
    %dma_wait3A_64 = arith.constant 0 : i32
    %dma_wait3A_65 = tpu.memref_slice %arg3[%dma_wait3A_63, %dma_wait3A_64] : memref<100000x1024xf32, #tpu.memory_space<hbm>> -> memref<100000x1024xf32, #tpu.memory_space<hbm>>
    tpu.wait_indirect_dma semaphore(%arg9 : memref<!tpu.dma_semaphore, #tpu.memory_space<semaphore_mem>>) src(%dma_wait3A_65 : memref<100000x1024xf32, #tpu.memory_space<hbm>>) dst(%arg8 : memref<32x1024xf32, #tpu.memory_space<vmem>>)
    %dma_wait3A_66 = arith.constant 0 : i32
    %dma_wait3A_67 = tpu.memref_slice %arg4[%add3A_54, %dma_wait3A_66] : memref<16384x1024xf32, #tpu.memory_space<hbm>> -> memref<32x1024xf32, #tpu.memory_space<hbm>>
    %dma_wait3A_68 = arith.constant 0 : i32
    %dma_wait3A_69 = tpu.memref_slice %arg4[%add3A_54, %dma_wait3A_68] : memref<16384x1024xf32, #tpu.memory_space<hbm>> -> memref<32x1024xf32, #tpu.memory_space<hbm>>
    tpu.wait_dma2 semaphore(%arg10 : memref<!tpu.dma_semaphore, #tpu.memory_space<semaphore_mem>>) src(%arg7 : memref<32x1024xf32, #tpu.memory_space<vmem>>) dst(%dma_wait3A_69 : memref<32x1024xf32, #tpu.memory_space<hbm>>)
    %dma_start3A_70 = arith.constant 4 : i32
    %dma_start3A_71 = arith.constant 0 : i32
    %dma_start3A_72 = tpu.memref_slice %arg5[%dma_start3A_70, %dma_start3A_71] : memref<16x32xi32, #tpu.memory_space<vmem>> -> memref<1x32xi32, #tpu.memory_space<vmem>>
    %dma_start3A_73 = tpu.memref_squeeze %dma_start3A_72 : memref<1x32xi32, #tpu.memory_space<vmem>> -> memref<32xi32, #tpu.memory_space<vmem>>
    %dma_start3A_74 = arith.constant 0 : i32
    %dma_start3A_75 = arith.constant 0 : i32
    %dma_start3A_76 = tpu.memref_slice %arg3[%dma_start3A_74, %dma_start3A_75] : memref<100000x1024xf32, #tpu.memory_space<hbm>> -> memref<100000x1024xf32, #tpu.memory_space<hbm>>
    tpu.enqueue_indirect_dma source(%dma_start3A_76 : memref<100000x1024xf32, #tpu.memory_space<hbm>>) target(%arg7 : memref<32x1024xf32, #tpu.memory_space<vmem>>) offsets(%dma_start3A_73 : memref<32xi32, #tpu.memory_space<vmem>>) semaphore(%arg9 : memref<!tpu.dma_semaphore, #tpu.memory_space<semaphore_mem>>)
    %add3A_77 = arith.constant 64 : i32
    %add3A_78 = arith.addi %mul3A_2, %add3A_77 : i32
    %dma_start3A_79 = arith.constant 0 : i32
    %dma_start3A_80 = tpu.memref_slice %arg4[%add3A_78, %dma_start3A_79] : memref<16384x1024xf32, #tpu.memory_space<hbm>> -> memref<32x1024xf32, #tpu.memory_space<hbm>>
    %dma_start3A_81 = arith.constant 0 : i32
    %dma_start3A_82 = tpu.memref_slice %arg4[%add3A_78, %dma_start3A_81] : memref<16384x1024xf32, #tpu.memory_space<hbm>> -> memref<32x1024xf32, #tpu.memory_space<hbm>>
    tpu.enqueue_dma source(%arg8 : memref<32x1024xf32, #tpu.memory_space<vmem>>) target(%dma_start3A_82 : memref<32x1024xf32, #tpu.memory_space<hbm>>) target_semaphore(%arg10 : memref<!tpu.dma_semaphore, #tpu.memory_space<semaphore_mem>>)
    %dma_wait3A_83 = arith.constant 3 : i32
    %dma_wait3A_84 = arith.constant 0 : i32
    %dma_wait3A_85 = tpu.memref_slice %arg5[%dma_wait3A_83, %dma_wait3A_84] : memref<16x32xi32, #tpu.memory_space<vmem>> -> memref<1x32xi32, #tpu.memory_space<vmem>>
    %dma_wait3A_86 = tpu.memref_squeeze %dma_wait3A_85 : memref<1x32xi32, #tpu.memory_space<vmem>> -> memref<32xi32, #tpu.memory_space<vmem>>
    %dma_wait3A_87 = arith.constant 0 : i32
    %dma_wait3A_88 = arith.constant 0 : i32
    %dma_wait3A_89 = tpu.memref_slice %arg3[%dma_wait3A_87, %dma_wait3A_88] : memref<100000x1024xf32, #tpu.memory_space<hbm>> -> memref<100000x1024xf32, #tpu.memory_space<hbm>>
    tpu.wait_indirect_dma semaphore(%arg9 : memref<!tpu.dma_semaphore, #tpu.memory_space<semaphore_mem>>) src(%dma_wait3A_89 : memref<100000x1024xf32, #tpu.memory_space<hbm>>) dst(%arg6 : memref<32x1024xf32, #tpu.memory_space<vmem>>)
    %dma_wait3A_90 = arith.constant 0 : i32
    %dma_wait3A_91 = tpu.memref_slice %arg4[%add3A_78, %dma_wait3A_90] : memref<16384x1024xf32, #tpu.memory_space<hbm>> -> memref<32x1024xf32, #tpu.memory_space<hbm>>
    %dma_wait3A_92 = arith.constant 0 : i32
    %dma_wait3A_93 = tpu.memref_slice %arg4[%add3A_78, %dma_wait3A_92] : memref<16384x1024xf32, #tpu.memory_space<hbm>> -> memref<32x1024xf32, #tpu.memory_space<hbm>>
    tpu.wait_dma2 semaphore(%arg10 : memref<!tpu.dma_semaphore, #tpu.memory_space<semaphore_mem>>) src(%arg8 : memref<32x1024xf32, #tpu.memory_space<vmem>>) dst(%dma_wait3A_93 : memref<32x1024xf32, #tpu.memory_space<hbm>>)
    %dma_start3A_94 = arith.constant 5 : i32
    %dma_start3A_95 = arith.constant 0 : i32
    %dma_start3A_96 = tpu.memref_slice %arg5[%dma_start3A_94, %dma_start3A_95] : memref<16x32xi32, #tpu.memory_space<vmem>> -> memref<1x32xi32, #tpu.memory_space<vmem>>
    %dma_start3A_97 = tpu.memref_squeeze %dma_start3A_96 : memref<1x32xi32, #tpu.memory_space<vmem>> -> memref<32xi32, #tpu.memory_space<vmem>>
    %dma_start3A_98 = arith.constant 0 : i32
    %dma_start3A_99 = arith.constant 0 : i32
    %dma_start3A_100 = tpu.memref_slice %arg3[%dma_start3A_98, %dma_start3A_99] : memref<100000x1024xf32, #tpu.memory_space<hbm>> -> memref<100000x1024xf32, #tpu.memory_space<hbm>>
    tpu.enqueue_indirect_dma source(%dma_start3A_100 : memref<100000x1024xf32, #tpu.memory_space<hbm>>) target(%arg8 : memref<32x1024xf32, #tpu.memory_space<vmem>>) offsets(%dma_start3A_97 : memref<32xi32, #tpu.memory_space<vmem>>) semaphore(%arg9 : memref<!tpu.dma_semaphore, #tpu.memory_space<semaphore_mem>>)
    %add3A_101 = arith.constant 96 : i32
    %add3A_102 = arith.addi %mul3A_2, %add3A_101 : i32
    %dma_start3A_103 = arith.constant 0 : i32
    %dma_start3A_104 = tpu.memref_slice %arg4[%add3A_102, %dma_start3A_103] : memref<16384x1024xf32, #tpu.memory_space<hbm>> -> memref<32x1024xf32, #tpu.memory_space<hbm>>
    %dma_start3A_105 = arith.constant 0 : i32
    %dma_start3A_106 = tpu.memref_slice %arg4[%add3A_102, %dma_start3A_105] : memref<16384x1024xf32, #tpu.memory_space<hbm>> -> memref<32x1024xf32, #tpu.memory_space<hbm>>
    tpu.enqueue_dma source(%arg6 : memref<32x1024xf32, #tpu.memory_space<vmem>>) target(%dma_start3A_106 : memref<32x1024xf32, #tpu.memory_space<hbm>>) target_semaphore(%arg10 : memref<!tpu.dma_semaphore, #tpu.memory_space<semaphore_mem>>)
    %dma_wait3A_107 = arith.constant 4 : i32
    %dma_wait3A_108 = arith.constant 0 : i32
    %dma_wait3A_109 = tpu.memref_slice %arg5[%dma_wait3A_107, %dma_wait3A_108] : memref<16x32xi32, #tpu.memory_space<vmem>> -> memref<1x32xi32, #tpu.memory_space<vmem>>
    %dma_wait3A_110 = tpu.memref_squeeze %dma_wait3A_109 : memref<1x32xi32, #tpu.memory_space<vmem>> -> memref<32xi32, #tpu.memory_space<vmem>>
    %dma_wait3A_111 = arith.constant 0 : i32
    %dma_wait3A_112 = arith.constant 0 : i32
    %dma_wait3A_113 = tpu.memref_slice %arg3[%dma_wait3A_111, %dma_wait3A_112] : memref<100000x1024xf32, #tpu.memory_space<hbm>> -> memref<100000x1024xf32, #tpu.memory_space<hbm>>
    tpu.wait_indirect_dma semaphore(%arg9 : memref<!tpu.dma_semaphore, #tpu.memory_space<semaphore_mem>>) src(%dma_wait3A_113 : memref<100000x1024xf32, #tpu.memory_space<hbm>>) dst(%arg7 : memref<32x1024xf32, #tpu.memory_space<vmem>>)
    %dma_wait3A_114 = arith.constant 0 : i32
    %dma_wait3A_115 = tpu.memref_slice %arg4[%add3A_102, %dma_wait3A_114] : memref<16384x1024xf32, #tpu.memory_space<hbm>> -> memref<32x1024xf32, #tpu.memory_space<hbm>>
    %dma_wait3A_116 = arith.constant 0 : i32
    %dma_wait3A_117 = tpu.memref_slice %arg4[%add3A_102, %dma_wait3A_116] : memref<16384x1024xf32, #tpu.memory_space<hbm>> -> memref<32x1024xf32, #tpu.memory_space<hbm>>
    tpu.wait_dma2 semaphore(%arg10 : memref<!tpu.dma_semaphore, #tpu.memory_space<semaphore_mem>>) src(%arg6 : memref<32x1024xf32, #tpu.memory_space<vmem>>) dst(%dma_wait3A_117 : memref<32x1024xf32, #tpu.memory_space<hbm>>)
    %dma_start3A_118 = arith.constant 6 : i32
    %dma_start3A_119 = arith.constant 0 : i32
    %dma_start3A_120 = tpu.memref_slice %arg5[%dma_start3A_118, %dma_start3A_119] : memref<16x32xi32, #tpu.memory_space<vmem>> -> memref<1x32xi32, #tpu.memory_space<vmem>>
    %dma_start3A_121 = tpu.memref_squeeze %dma_start3A_120 : memref<1x32xi32, #tpu.memory_space<vmem>> -> memref<32xi32, #tpu.memory_space<vmem>>
    %dma_start3A_122 = arith.constant 0 : i32
    %dma_start3A_123 = arith.constant 0 : i32
    %dma_start3A_124 = tpu.memref_slice %arg3[%dma_start3A_122, %dma_start3A_123] : memref<100000x1024xf32, #tpu.memory_space<hbm>> -> memref<100000x1024xf32, #tpu.memory_space<hbm>>
    tpu.enqueue_indirect_dma source(%dma_start3A_124 : memref<100000x1024xf32, #tpu.memory_space<hbm>>) target(%arg6 : memref<32x1024xf32, #tpu.memory_space<vmem>>) offsets(%dma_start3A_121 : memref<32xi32, #tpu.memory_space<vmem>>) semaphore(%arg9 : memref<!tpu.dma_semaphore, #tpu.memory_space<semaphore_mem>>)
    %add3A_125 = arith.constant 128 : i32
    %add3A_126 = arith.addi %mul3A_2, %add3A_125 : i32
    %dma_start3A_127 = arith.constant 0 : i32
    %dma_start3A_128 = tpu.memref_slice %arg4[%add3A_126, %dma_start3A_127] : memref<16384x1024xf32, #tpu.memory_space<hbm>> -> memref<32x1024xf32, #tpu.memory_space<hbm>>
    %dma_start3A_129 = arith.constant 0 : i32
    %dma_start3A_130 = tpu.memref_slice %arg4[%add3A_126, %dma_start3A_129] : memref<16384x1024xf32, #tpu.memory_space<hbm>> -> memref<32x1024xf32, #tpu.memory_space<hbm>>
    tpu.enqueue_dma source(%arg7 : memref<32x1024xf32, #tpu.memory_space<vmem>>) target(%dma_start3A_130 : memref<32x1024xf32, #tpu.memory_space<hbm>>) target_semaphore(%arg10 : memref<!tpu.dma_semaphore, #tpu.memory_space<semaphore_mem>>)
    %dma_wait3A_131 = arith.constant 5 : i32
    %dma_wait3A_132 = arith.constant 0 : i32
    %dma_wait3A_133 = tpu.memref_slice %arg5[%dma_wait3A_131, %dma_wait3A_132] : memref<16x32xi32, #tpu.memory_space<vmem>> -> memref<1x32xi32, #tpu.memory_space<vmem>>
    %dma_wait3A_134 = tpu.memref_squeeze %dma_wait3A_133 : memref<1x32xi32, #tpu.memory_space<vmem>> -> memref<32xi32, #tpu.memory_space<vmem>>
    %dma_wait3A_135 = arith.constant 0 : i32
    %dma_wait3A_136 = arith.constant 0 : i32
    %dma_wait3A_137 = tpu.memref_slice %arg3[%dma_wait3A_135, %dma_wait3A_136] : memref<100000x1024xf32, #tpu.memory_space<hbm>> -> memref<100000x1024xf32, #tpu.memory_space<hbm>>
    tpu.wait_indirect_dma semaphore(%arg9 : memref<!tpu.dma_semaphore, #tpu.memory_space<semaphore_mem>>) src(%dma_wait3A_137 : memref<100000x1024xf32, #tpu.memory_space<hbm>>) dst(%arg8 : memref<32x1024xf32, #tpu.memory_space<vmem>>)
    %dma_wait3A_138 = arith.constant 0 : i32
    %dma_wait3A_139 = tpu.memref_slice %arg4[%add3A_126, %dma_wait3A_138] : memref<16384x1024xf32, #tpu.memory_space<hbm>> -> memref<32x1024xf32, #tpu.memory_space<hbm>>
    %dma_wait3A_140 = arith.constant 0 : i32
    %dma_wait3A_141 = tpu.memref_slice %arg4[%add3A_126, %dma_wait3A_140] : memref<16384x1024xf32, #tpu.memory_space<hbm>> -> memref<32x1024xf32, #tpu.memory_space<hbm>>
    tpu.wait_dma2 semaphore(%arg10 : memref<!tpu.dma_semaphore, #tpu.memory_space<semaphore_mem>>) src(%arg7 : memref<32x1024xf32, #tpu.memory_space<vmem>>) dst(%dma_wait3A_141 : memref<32x1024xf32, #tpu.memory_space<hbm>>)
    %dma_start3A_142 = arith.constant 7 : i32
    %dma_start3A_143 = arith.constant 0 : i32
    %dma_start3A_144 = tpu.memref_slice %arg5[%dma_start3A_142, %dma_start3A_143] : memref<16x32xi32, #tpu.memory_space<vmem>> -> memref<1x32xi32, #tpu.memory_space<vmem>>
    %dma_start3A_145 = tpu.memref_squeeze %dma_start3A_144 : memref<1x32xi32, #tpu.memory_space<vmem>> -> memref<32xi32, #tpu.memory_space<vmem>>
    %dma_start3A_146 = arith.constant 0 : i32
    %dma_start3A_147 = arith.constant 0 : i32
    %dma_start3A_148 = tpu.memref_slice %arg3[%dma_start3A_146, %dma_start3A_147] : memref<100000x1024xf32, #tpu.memory_space<hbm>> -> memref<100000x1024xf32, #tpu.memory_space<hbm>>
    tpu.enqueue_indirect_dma source(%dma_start3A_148 : memref<100000x1024xf32, #tpu.memory_space<hbm>>) target(%arg7 : memref<32x1024xf32, #tpu.memory_space<vmem>>) offsets(%dma_start3A_145 : memref<32xi32, #tpu.memory_space<vmem>>) semaphore(%arg9 : memref<!tpu.dma_semaphore, #tpu.memory_space<semaphore_mem>>)
    %add3A_149 = arith.constant 160 : i32
    %add3A_150 = arith.addi %mul3A_2, %add3A_149 : i32
    %dma_start3A_151 = arith.constant 0 : i32
    %dma_start3A_152 = tpu.memref_slice %arg4[%add3A_150, %dma_start3A_151] : memref<16384x1024xf32, #tpu.memory_space<hbm>> -> memref<32x1024xf32, #tpu.memory_space<hbm>>
    %dma_start3A_153 = arith.constant 0 : i32
    %dma_start3A_154 = tpu.memref_slice %arg4[%add3A_150, %dma_start3A_153] : memref<16384x1024xf32, #tpu.memory_space<hbm>> -> memref<32x1024xf32, #tpu.memory_space<hbm>>
    tpu.enqueue_dma source(%arg8 : memref<32x1024xf32, #tpu.memory_space<vmem>>) target(%dma_start3A_154 : memref<32x1024xf32, #tpu.memory_space<hbm>>) target_semaphore(%arg10 : memref<!tpu.dma_semaphore, #tpu.memory_space<semaphore_mem>>)
    %dma_wait3A_155 = arith.constant 6 : i32
    %dma_wait3A_156 = arith.constant 0 : i32
    %dma_wait3A_157 = tpu.memref_slice %arg5[%dma_wait3A_155, %dma_wait3A_156] : memref<16x32xi32, #tpu.memory_space<vmem>> -> memref<1x32xi32, #tpu.memory_space<vmem>>
    %dma_wait3A_158 = tpu.memref_squeeze %dma_wait3A_157 : memref<1x32xi32, #tpu.memory_space<vmem>> -> memref<32xi32, #tpu.memory_space<vmem>>
    %dma_wait3A_159 = arith.constant 0 : i32
    %dma_wait3A_160 = arith.constant 0 : i32
    %dma_wait3A_161 = tpu.memref_slice %arg3[%dma_wait3A_159, %dma_wait3A_160] : memref<100000x1024xf32, #tpu.memory_space<hbm>> -> memref<100000x1024xf32, #tpu.memory_space<hbm>>
    tpu.wait_indirect_dma semaphore(%arg9 : memref<!tpu.dma_semaphore, #tpu.memory_space<semaphore_mem>>) src(%dma_wait3A_161 : memref<100000x1024xf32, #tpu.memory_space<hbm>>) dst(%arg6 : memref<32x1024xf32, #tpu.memory_space<vmem>>)
    %dma_wait3A_162 = arith.constant 0 : i32
    %dma_wait3A_163 = tpu.memref_slice %arg4[%add3A_150, %dma_wait3A_162] : memref<16384x1024xf32, #tpu.memory_space<hbm>> -> memref<32x1024xf32, #tpu.memory_space<hbm>>
    %dma_wait3A_164 = arith.constant 0 : i32
    %dma_wait3A_165 = tpu.memref_slice %arg4[%add3A_150, %dma_wait3A_164] : memref<16384x1024xf32, #tpu.memory_space<hbm>> -> memref<32x1024xf32, #tpu.memory_space<hbm>>
    tpu.wait_dma2 semaphore(%arg10 : memref<!tpu.dma_semaphore, #tpu.memory_space<semaphore_mem>>) src(%arg8 : memref<32x1024xf32, #tpu.memory_space<vmem>>) dst(%dma_wait3A_165 : memref<32x1024xf32, #tpu.memory_space<hbm>>)
    %dma_start3A_166 = arith.constant 8 : i32
    %dma_start3A_167 = arith.constant 0 : i32
    %dma_start3A_168 = tpu.memref_slice %arg5[%dma_start3A_166, %dma_start3A_167] : memref<16x32xi32, #tpu.memory_space<vmem>> -> memref<1x32xi32, #tpu.memory_space<vmem>>
    %dma_start3A_169 = tpu.memref_squeeze %dma_start3A_168 : memref<1x32xi32, #tpu.memory_space<vmem>> -> memref<32xi32, #tpu.memory_space<vmem>>
    %dma_start3A_170 = arith.constant 0 : i32
    %dma_start3A_171 = arith.constant 0 : i32
    %dma_start3A_172 = tpu.memref_slice %arg3[%dma_start3A_170, %dma_start3A_171] : memref<100000x1024xf32, #tpu.memory_space<hbm>> -> memref<100000x1024xf32, #tpu.memory_space<hbm>>
    tpu.enqueue_indirect_dma source(%dma_start3A_172 : memref<100000x1024xf32, #tpu.memory_space<hbm>>) target(%arg8 : memref<32x1024xf32, #tpu.memory_space<vmem>>) offsets(%dma_start3A_169 : memref<32xi32, #tpu.memory_space<vmem>>) semaphore(%arg9 : memref<!tpu.dma_semaphore, #tpu.memory_space<semaphore_mem>>)
    %add3A_173 = arith.constant 192 : i32
    %add3A_174 = arith.addi %mul3A_2, %add3A_173 : i32
    %dma_start3A_175 = arith.constant 0 : i32
    %dma_start3A_176 = tpu.memref_slice %arg4[%add3A_174, %dma_start3A_175] : memref<16384x1024xf32, #tpu.memory_space<hbm>> -> memref<32x1024xf32, #tpu.memory_space<hbm>>
    %dma_start3A_177 = arith.constant 0 : i32
    %dma_start3A_178 = tpu.memref_slice %arg4[%add3A_174, %dma_start3A_177] : memref<16384x1024xf32, #tpu.memory_space<hbm>> -> memref<32x1024xf32, #tpu.memory_space<hbm>>
    tpu.enqueue_dma source(%arg6 : memref<32x1024xf32, #tpu.memory_space<vmem>>) target(%dma_start3A_178 : memref<32x1024xf32, #tpu.memory_space<hbm>>) target_semaphore(%arg10 : memref<!tpu.dma_semaphore, #tpu.memory_space<semaphore_mem>>)
    %dma_wait3A_179 = arith.constant 7 : i32
    %dma_wait3A_180 = arith.constant 0 : i32
    %dma_wait3A_181 = tpu.memref_slice %arg5[%dma_wait3A_179, %dma_wait3A_180] : memref<16x32xi32, #tpu.memory_space<vmem>> -> memref<1x32xi32, #tpu.memory_space<vmem>>
    %dma_wait3A_182 = tpu.memref_squeeze %dma_wait3A_181 : memref<1x32xi32, #tpu.memory_space<vmem>> -> memref<32xi32, #tpu.memory_space<vmem>>
    %dma_wait3A_183 = arith.constant 0 : i32
    %dma_wait3A_184 = arith.constant 0 : i32
    %dma_wait3A_185 = tpu.memref_slice %arg3[%dma_wait3A_183, %dma_wait3A_184] : memref<100000x1024xf32, #tpu.memory_space<hbm>> -> memref<100000x1024xf32, #tpu.memory_space<hbm>>
    tpu.wait_indirect_dma semaphore(%arg9 : memref<!tpu.dma_semaphore, #tpu.memory_space<semaphore_mem>>) src(%dma_wait3A_185 : memref<100000x1024xf32, #tpu.memory_space<hbm>>) dst(%arg7 : memref<32x1024xf32, #tpu.memory_space<vmem>>)
    %dma_wait3A_186 = arith.constant 0 : i32
    %dma_wait3A_187 = tpu.memref_slice %arg4[%add3A_174, %dma_wait3A_186] : memref<16384x1024xf32, #tpu.memory_space<hbm>> -> memref<32x1024xf32, #tpu.memory_space<hbm>>
    %dma_wait3A_188 = arith.constant 0 : i32
    %dma_wait3A_189 = tpu.memref_slice %arg4[%add3A_174, %dma_wait3A_188] : memref<16384x1024xf32, #tpu.memory_space<hbm>> -> memref<32x1024xf32, #tpu.memory_space<hbm>>
    tpu.wait_dma2 semaphore(%arg10 : memref<!tpu.dma_semaphore, #tpu.memory_space<semaphore_mem>>) src(%arg6 : memref<32x1024xf32, #tpu.memory_space<vmem>>) dst(%dma_wait3A_189 : memref<32x1024xf32, #tpu.memory_space<hbm>>)
    %dma_start3A_190 = arith.constant 9 : i32
    %dma_start3A_191 = arith.constant 0 : i32
    %dma_start3A_192 = tpu.memref_slice %arg5[%dma_start3A_190, %dma_start3A_191] : memref<16x32xi32, #tpu.memory_space<vmem>> -> memref<1x32xi32, #tpu.memory_space<vmem>>
    %dma_start3A_193 = tpu.memref_squeeze %dma_start3A_192 : memref<1x32xi32, #tpu.memory_space<vmem>> -> memref<32xi32, #tpu.memory_space<vmem>>
    %dma_start3A_194 = arith.constant 0 : i32
    %dma_start3A_195 = arith.constant 0 : i32
    %dma_start3A_196 = tpu.memref_slice %arg3[%dma_start3A_194, %dma_start3A_195] : memref<100000x1024xf32, #tpu.memory_space<hbm>> -> memref<100000x1024xf32, #tpu.memory_space<hbm>>
    tpu.enqueue_indirect_dma source(%dma_start3A_196 : memref<100000x1024xf32, #tpu.memory_space<hbm>>) target(%arg6 : memref<32x1024xf32, #tpu.memory_space<vmem>>) offsets(%dma_start3A_193 : memref<32xi32, #tpu.memory_space<vmem>>) semaphore(%arg9 : memref<!tpu.dma_semaphore, #tpu.memory_space<semaphore_mem>>)
    %add3A_197 = arith.constant 224 : i32
    %add3A_198 = arith.addi %mul3A_2, %add3A_197 : i32
    %dma_start3A_199 = arith.constant 0 : i32
    %dma_start3A_200 = tpu.memref_slice %arg4[%add3A_198, %dma_start3A_199] : memref<16384x1024xf32, #tpu.memory_space<hbm>> -> memref<32x1024xf32, #tpu.memory_space<hbm>>
    %dma_start3A_201 = arith.constant 0 : i32
    %dma_start3A_202 = tpu.memref_slice %arg4[%add3A_198, %dma_start3A_201] : memref<16384x1024xf32, #tpu.memory_space<hbm>> -> memref<32x1024xf32, #tpu.memory_space<hbm>>
    tpu.enqueue_dma source(%arg7 : memref<32x1024xf32, #tpu.memory_space<vmem>>) target(%dma_start3A_202 : memref<32x1024xf32, #tpu.memory_space<hbm>>) target_semaphore(%arg10 : memref<!tpu.dma_semaphore, #tpu.memory_space<semaphore_mem>>)
    %dma_wait3A_203 = arith.constant 8 : i32
    %dma_wait3A_204 = arith.constant 0 : i32
    %dma_wait3A_205 = tpu.memref_slice %arg5[%dma_wait3A_203, %dma_wait3A_204] : memref<16x32xi32, #tpu.memory_space<vmem>> -> memref<1x32xi32, #tpu.memory_space<vmem>>
    %dma_wait3A_206 = tpu.memref_squeeze %dma_wait3A_205 : memref<1x32xi32, #tpu.memory_space<vmem>> -> memref<32xi32, #tpu.memory_space<vmem>>
    %dma_wait3A_207 = arith.constant 0 : i32
    %dma_wait3A_208 = arith.constant 0 : i32
    %dma_wait3A_209 = tpu.memref_slice %arg3[%dma_wait3A_207, %dma_wait3A_208] : memref<100000x1024xf32, #tpu.memory_space<hbm>> -> memref<100000x1024xf32, #tpu.memory_space<hbm>>
    tpu.wait_indirect_dma semaphore(%arg9 : memref<!tpu.dma_semaphore, #tpu.memory_space<semaphore_mem>>) src(%dma_wait3A_209 : memref<100000x1024xf32, #tpu.memory_space<hbm>>) dst(%arg8 : memref<32x1024xf32, #tpu.memory_space<vmem>>)
    %dma_wait3A_210 = arith.constant 0 : i32
    %dma_wait3A_211 = tpu.memref_slice %arg4[%add3A_198, %dma_wait3A_210] : memref<16384x1024xf32, #tpu.memory_space<hbm>> -> memref<32x1024xf32, #tpu.memory_space<hbm>>
    %dma_wait3A_212 = arith.constant 0 : i32
    %dma_wait3A_213 = tpu.memref_slice %arg4[%add3A_198, %dma_wait3A_212] : memref<16384x1024xf32, #tpu.memory_space<hbm>> -> memref<32x1024xf32, #tpu.memory_space<hbm>>
    tpu.wait_dma2 semaphore(%arg10 : memref<!tpu.dma_semaphore, #tpu.memory_space<semaphore_mem>>) src(%arg7 : memref<32x1024xf32, #tpu.memory_space<vmem>>) dst(%dma_wait3A_213 : memref<32x1024xf32, #tpu.memory_space<hbm>>)
    %dma_start3A_214 = arith.constant 10 : i32
    %dma_start3A_215 = arith.constant 0 : i32
    %dma_start3A_216 = tpu.memref_slice %arg5[%dma_start3A_214, %dma_start3A_215] : memref<16x32xi32, #tpu.memory_space<vmem>> -> memref<1x32xi32, #tpu.memory_space<vmem>>
    %dma_start3A_217 = tpu.memref_squeeze %dma_start3A_216 : memref<1x32xi32, #tpu.memory_space<vmem>> -> memref<32xi32, #tpu.memory_space<vmem>>
    %dma_start3A_218 = arith.constant 0 : i32
    %dma_start3A_219 = arith.constant 0 : i32
    %dma_start3A_220 = tpu.memref_slice %arg3[%dma_start3A_218, %dma_start3A_219] : memref<100000x1024xf32, #tpu.memory_space<hbm>> -> memref<100000x1024xf32, #tpu.memory_space<hbm>>
    tpu.enqueue_indirect_dma source(%dma_start3A_220 : memref<100000x1024xf32, #tpu.memory_space<hbm>>) target(%arg7 : memref<32x1024xf32, #tpu.memory_space<vmem>>) offsets(%dma_start3A_217 : memref<32xi32, #tpu.memory_space<vmem>>) semaphore(%arg9 : memref<!tpu.dma_semaphore, #tpu.memory_space<semaphore_mem>>)
    %add3A_221 = arith.constant 256 : i32
    %add3A_222 = arith.addi %mul3A_2, %add3A_221 : i32
    %dma_start3A_223 = arith.constant 0 : i32
    %dma_start3A_224 = tpu.memref_slice %arg4[%add3A_222, %dma_start3A_223] : memref<16384x1024xf32, #tpu.memory_space<hbm>> -> memref<32x1024xf32, #tpu.memory_space<hbm>>
    %dma_start3A_225 = arith.constant 0 : i32
    %dma_start3A_226 = tpu.memref_slice %arg4[%add3A_222, %dma_start3A_225] : memref<16384x1024xf32, #tpu.memory_space<hbm>> -> memref<32x1024xf32, #tpu.memory_space<hbm>>
    tpu.enqueue_dma source(%arg8 : memref<32x1024xf32, #tpu.memory_space<vmem>>) target(%dma_start3A_226 : memref<32x1024xf32, #tpu.memory_space<hbm>>) target_semaphore(%arg10 : memref<!tpu.dma_semaphore, #tpu.memory_space<semaphore_mem>>)
    %dma_wait3A_227 = arith.constant 9 : i32
    %dma_wait3A_228 = arith.constant 0 : i32
    %dma_wait3A_229 = tpu.memref_slice %arg5[%dma_wait3A_227, %dma_wait3A_228] : memref<16x32xi32, #tpu.memory_space<vmem>> -> memref<1x32xi32, #tpu.memory_space<vmem>>
    %dma_wait3A_230 = tpu.memref_squeeze %dma_wait3A_229 : memref<1x32xi32, #tpu.memory_space<vmem>> -> memref<32xi32, #tpu.memory_space<vmem>>
    %dma_wait3A_231 = arith.constant 0 : i32
    %dma_wait3A_232 = arith.constant 0 : i32
    %dma_wait3A_233 = tpu.memref_slice %arg3[%dma_wait3A_231, %dma_wait3A_232] : memref<100000x1024xf32, #tpu.memory_space<hbm>> -> memref<100000x1024xf32, #tpu.memory_space<hbm>>
    tpu.wait_indirect_dma semaphore(%arg9 : memref<!tpu.dma_semaphore, #tpu.memory_space<semaphore_mem>>) src(%dma_wait3A_233 : memref<100000x1024xf32, #tpu.memory_space<hbm>>) dst(%arg6 : memref<32x1024xf32, #tpu.memory_space<vmem>>)
    %dma_wait3A_234 = arith.constant 0 : i32
    %dma_wait3A_235 = tpu.memref_slice %arg4[%add3A_222, %dma_wait3A_234] : memref<16384x1024xf32, #tpu.memory_space<hbm>> -> memref<32x1024xf32, #tpu.memory_space<hbm>>
    %dma_wait3A_236 = arith.constant 0 : i32
    %dma_wait3A_237 = tpu.memref_slice %arg4[%add3A_222, %dma_wait3A_236] : memref<16384x1024xf32, #tpu.memory_space<hbm>> -> memref<32x1024xf32, #tpu.memory_space<hbm>>
    tpu.wait_dma2 semaphore(%arg10 : memref<!tpu.dma_semaphore, #tpu.memory_space<semaphore_mem>>) src(%arg8 : memref<32x1024xf32, #tpu.memory_space<vmem>>) dst(%dma_wait3A_237 : memref<32x1024xf32, #tpu.memory_space<hbm>>)
    %dma_start3A_238 = arith.constant 11 : i32
    %dma_start3A_239 = arith.constant 0 : i32
    %dma_start3A_240 = tpu.memref_slice %arg5[%dma_start3A_238, %dma_start3A_239] : memref<16x32xi32, #tpu.memory_space<vmem>> -> memref<1x32xi32, #tpu.memory_space<vmem>>
    %dma_start3A_241 = tpu.memref_squeeze %dma_start3A_240 : memref<1x32xi32, #tpu.memory_space<vmem>> -> memref<32xi32, #tpu.memory_space<vmem>>
    %dma_start3A_242 = arith.constant 0 : i32
    %dma_start3A_243 = arith.constant 0 : i32
    %dma_start3A_244 = tpu.memref_slice %arg3[%dma_start3A_242, %dma_start3A_243] : memref<100000x1024xf32, #tpu.memory_space<hbm>> -> memref<100000x1024xf32, #tpu.memory_space<hbm>>
    tpu.enqueue_indirect_dma source(%dma_start3A_244 : memref<100000x1024xf32, #tpu.memory_space<hbm>>) target(%arg8 : memref<32x1024xf32, #tpu.memory_space<vmem>>) offsets(%dma_start3A_241 : memref<32xi32, #tpu.memory_space<vmem>>) semaphore(%arg9 : memref<!tpu.dma_semaphore, #tpu.memory_space<semaphore_mem>>)
    %add3A_245 = arith.constant 288 : i32
    %add3A_246 = arith.addi %mul3A_2, %add3A_245 : i32
    %dma_start3A_247 = arith.constant 0 : i32
    %dma_start3A_248 = tpu.memref_slice %arg4[%add3A_246, %dma_start3A_247] : memref<16384x1024xf32, #tpu.memory_space<hbm>> -> memref<32x1024xf32, #tpu.memory_space<hbm>>
    %dma_start3A_249 = arith.constant 0 : i32
    %dma_start3A_250 = tpu.memref_slice %arg4[%add3A_246, %dma_start3A_249] : memref<16384x1024xf32, #tpu.memory_space<hbm>> -> memref<32x1024xf32, #tpu.memory_space<hbm>>
    tpu.enqueue_dma source(%arg6 : memref<32x1024xf32, #tpu.memory_space<vmem>>) target(%dma_start3A_250 : memref<32x1024xf32, #tpu.memory_space<hbm>>) target_semaphore(%arg10 : memref<!tpu.dma_semaphore, #tpu.memory_space<semaphore_mem>>)
    %dma_wait3A_251 = arith.constant 10 : i32
    %dma_wait3A_252 = arith.constant 0 : i32
    %dma_wait3A_253 = tpu.memref_slice %arg5[%dma_wait3A_251, %dma_wait3A_252] : memref<16x32xi32, #tpu.memory_space<vmem>> -> memref<1x32xi32, #tpu.memory_space<vmem>>
    %dma_wait3A_254 = tpu.memref_squeeze %dma_wait3A_253 : memref<1x32xi32, #tpu.memory_space<vmem>> -> memref<32xi32, #tpu.memory_space<vmem>>
    %dma_wait3A_255 = arith.constant 0 : i32
    %dma_wait3A_256 = arith.constant 0 : i32
    %dma_wait3A_257 = tpu.memref_slice %arg3[%dma_wait3A_255, %dma_wait3A_256] : memref<100000x1024xf32, #tpu.memory_space<hbm>> -> memref<100000x1024xf32, #tpu.memory_space<hbm>>
    tpu.wait_indirect_dma semaphore(%arg9 : memref<!tpu.dma_semaphore, #tpu.memory_space<semaphore_mem>>) src(%dma_wait3A_257 : memref<100000x1024xf32, #tpu.memory_space<hbm>>) dst(%arg7 : memref<32x1024xf32, #tpu.memory_space<vmem>>)
    %dma_wait3A_258 = arith.constant 0 : i32
    %dma_wait3A_259 = tpu.memref_slice %arg4[%add3A_246, %dma_wait3A_258] : memref<16384x1024xf32, #tpu.memory_space<hbm>> -> memref<32x1024xf32, #tpu.memory_space<hbm>>
    %dma_wait3A_260 = arith.constant 0 : i32
    %dma_wait3A_261 = tpu.memref_slice %arg4[%add3A_246, %dma_wait3A_260] : memref<16384x1024xf32, #tpu.memory_space<hbm>> -> memref<32x1024xf32, #tpu.memory_space<hbm>>
    tpu.wait_dma2 semaphore(%arg10 : memref<!tpu.dma_semaphore, #tpu.memory_space<semaphore_mem>>) src(%arg6 : memref<32x1024xf32, #tpu.memory_space<vmem>>) dst(%dma_wait3A_261 : memref<32x1024xf32, #tpu.memory_space<hbm>>)
    %dma_start3A_262 = arith.constant 12 : i32
    %dma_start3A_263 = arith.constant 0 : i32
    %dma_start3A_264 = tpu.memref_slice %arg5[%dma_start3A_262, %dma_start3A_263] : memref<16x32xi32, #tpu.memory_space<vmem>> -> memref<1x32xi32, #tpu.memory_space<vmem>>
    %dma_start3A_265 = tpu.memref_squeeze %dma_start3A_264 : memref<1x32xi32, #tpu.memory_space<vmem>> -> memref<32xi32, #tpu.memory_space<vmem>>
    %dma_start3A_266 = arith.constant 0 : i32
    %dma_start3A_267 = arith.constant 0 : i32
    %dma_start3A_268 = tpu.memref_slice %arg3[%dma_start3A_266, %dma_start3A_267] : memref<100000x1024xf32, #tpu.memory_space<hbm>> -> memref<100000x1024xf32, #tpu.memory_space<hbm>>
    tpu.enqueue_indirect_dma source(%dma_start3A_268 : memref<100000x1024xf32, #tpu.memory_space<hbm>>) target(%arg6 : memref<32x1024xf32, #tpu.memory_space<vmem>>) offsets(%dma_start3A_265 : memref<32xi32, #tpu.memory_space<vmem>>) semaphore(%arg9 : memref<!tpu.dma_semaphore, #tpu.memory_space<semaphore_mem>>)
    %add3A_269 = arith.constant 320 : i32
    %add3A_270 = arith.addi %mul3A_2, %add3A_269 : i32
    %dma_start3A_271 = arith.constant 0 : i32
    %dma_start3A_272 = tpu.memref_slice %arg4[%add3A_270, %dma_start3A_271] : memref<16384x1024xf32, #tpu.memory_space<hbm>> -> memref<32x1024xf32, #tpu.memory_space<hbm>>
    %dma_start3A_273 = arith.constant 0 : i32
    %dma_start3A_274 = tpu.memref_slice %arg4[%add3A_270, %dma_start3A_273] : memref<16384x1024xf32, #tpu.memory_space<hbm>> -> memref<32x1024xf32, #tpu.memory_space<hbm>>
    tpu.enqueue_dma source(%arg7 : memref<32x1024xf32, #tpu.memory_space<vmem>>) target(%dma_start3A_274 : memref<32x1024xf32, #tpu.memory_space<hbm>>) target_semaphore(%arg10 : memref<!tpu.dma_semaphore, #tpu.memory_space<semaphore_mem>>)
    %dma_wait3A_275 = arith.constant 11 : i32
    %dma_wait3A_276 = arith.constant 0 : i32
    %dma_wait3A_277 = tpu.memref_slice %arg5[%dma_wait3A_275, %dma_wait3A_276] : memref<16x32xi32, #tpu.memory_space<vmem>> -> memref<1x32xi32, #tpu.memory_space<vmem>>
    %dma_wait3A_278 = tpu.memref_squeeze %dma_wait3A_277 : memref<1x32xi32, #tpu.memory_space<vmem>> -> memref<32xi32, #tpu.memory_space<vmem>>
    %dma_wait3A_279 = arith.constant 0 : i32
    %dma_wait3A_280 = arith.constant 0 : i32
    %dma_wait3A_281 = tpu.memref_slice %arg3[%dma_wait3A_279, %dma_wait3A_280] : memref<100000x1024xf32, #tpu.memory_space<hbm>> -> memref<100000x1024xf32, #tpu.memory_space<hbm>>
    tpu.wait_indirect_dma semaphore(%arg9 : memref<!tpu.dma_semaphore, #tpu.memory_space<semaphore_mem>>) src(%dma_wait3A_281 : memref<100000x1024xf32, #tpu.memory_space<hbm>>) dst(%arg8 : memref<32x1024xf32, #tpu.memory_space<vmem>>)
    %dma_wait3A_282 = arith.constant 0 : i32
    %dma_wait3A_283 = tpu.memref_slice %arg4[%add3A_270, %dma_wait3A_282] : memref<16384x1024xf32, #tpu.memory_space<hbm>> -> memref<32x1024xf32, #tpu.memory_space<hbm>>
    %dma_wait3A_284 = arith.constant 0 : i32
    %dma_wait3A_285 = tpu.memref_slice %arg4[%add3A_270, %dma_wait3A_284] : memref<16384x1024xf32, #tpu.memory_space<hbm>> -> memref<32x1024xf32, #tpu.memory_space<hbm>>
    tpu.wait_dma2 semaphore(%arg10 : memref<!tpu.dma_semaphore, #tpu.memory_space<semaphore_mem>>) src(%arg7 : memref<32x1024xf32, #tpu.memory_space<vmem>>) dst(%dma_wait3A_285 : memref<32x1024xf32, #tpu.memory_space<hbm>>)
    %dma_start3A_286 = arith.constant 13 : i32
    %dma_start3A_287 = arith.constant 0 : i32
    %dma_start3A_288 = tpu.memref_slice %arg5[%dma_start3A_286, %dma_start3A_287] : memref<16x32xi32, #tpu.memory_space<vmem>> -> memref<1x32xi32, #tpu.memory_space<vmem>>
    %dma_start3A_289 = tpu.memref_squeeze %dma_start3A_288 : memref<1x32xi32, #tpu.memory_space<vmem>> -> memref<32xi32, #tpu.memory_space<vmem>>
    %dma_start3A_290 = arith.constant 0 : i32
    %dma_start3A_291 = arith.constant 0 : i32
    %dma_start3A_292 = tpu.memref_slice %arg3[%dma_start3A_290, %dma_start3A_291] : memref<100000x1024xf32, #tpu.memory_space<hbm>> -> memref<100000x1024xf32, #tpu.memory_space<hbm>>
    tpu.enqueue_indirect_dma source(%dma_start3A_292 : memref<100000x1024xf32, #tpu.memory_space<hbm>>) target(%arg7 : memref<32x1024xf32, #tpu.memory_space<vmem>>) offsets(%dma_start3A_289 : memref<32xi32, #tpu.memory_space<vmem>>) semaphore(%arg9 : memref<!tpu.dma_semaphore, #tpu.memory_space<semaphore_mem>>)
    %add3A_293 = arith.constant 352 : i32
    %add3A_294 = arith.addi %mul3A_2, %add3A_293 : i32
    %dma_start3A_295 = arith.constant 0 : i32
    %dma_start3A_296 = tpu.memref_slice %arg4[%add3A_294, %dma_start3A_295] : memref<16384x1024xf32, #tpu.memory_space<hbm>> -> memref<32x1024xf32, #tpu.memory_space<hbm>>
    %dma_start3A_297 = arith.constant 0 : i32
    %dma_start3A_298 = tpu.memref_slice %arg4[%add3A_294, %dma_start3A_297] : memref<16384x1024xf32, #tpu.memory_space<hbm>> -> memref<32x1024xf32, #tpu.memory_space<hbm>>
    tpu.enqueue_dma source(%arg8 : memref<32x1024xf32, #tpu.memory_space<vmem>>) target(%dma_start3A_298 : memref<32x1024xf32, #tpu.memory_space<hbm>>) target_semaphore(%arg10 : memref<!tpu.dma_semaphore, #tpu.memory_space<semaphore_mem>>)
    %dma_wait3A_299 = arith.constant 12 : i32
    %dma_wait3A_300 = arith.constant 0 : i32
    %dma_wait3A_301 = tpu.memref_slice %arg5[%dma_wait3A_299, %dma_wait3A_300] : memref<16x32xi32, #tpu.memory_space<vmem>> -> memref<1x32xi32, #tpu.memory_space<vmem>>
    %dma_wait3A_302 = tpu.memref_squeeze %dma_wait3A_301 : memref<1x32xi32, #tpu.memory_space<vmem>> -> memref<32xi32, #tpu.memory_space<vmem>>
    %dma_wait3A_303 = arith.constant 0 : i32
    %dma_wait3A_304 = arith.constant 0 : i32
    %dma_wait3A_305 = tpu.memref_slice %arg3[%dma_wait3A_303, %dma_wait3A_304] : memref<100000x1024xf32, #tpu.memory_space<hbm>> -> memref<100000x1024xf32, #tpu.memory_space<hbm>>
    tpu.wait_indirect_dma semaphore(%arg9 : memref<!tpu.dma_semaphore, #tpu.memory_space<semaphore_mem>>) src(%dma_wait3A_305 : memref<100000x1024xf32, #tpu.memory_space<hbm>>) dst(%arg6 : memref<32x1024xf32, #tpu.memory_space<vmem>>)
    %dma_wait3A_306 = arith.constant 0 : i32
    %dma_wait3A_307 = tpu.memref_slice %arg4[%add3A_294, %dma_wait3A_306] : memref<16384x1024xf32, #tpu.memory_space<hbm>> -> memref<32x1024xf32, #tpu.memory_space<hbm>>
    %dma_wait3A_308 = arith.constant 0 : i32
    %dma_wait3A_309 = tpu.memref_slice %arg4[%add3A_294, %dma_wait3A_308] : memref<16384x1024xf32, #tpu.memory_space<hbm>> -> memref<32x1024xf32, #tpu.memory_space<hbm>>
    tpu.wait_dma2 semaphore(%arg10 : memref<!tpu.dma_semaphore, #tpu.memory_space<semaphore_mem>>) src(%arg8 : memref<32x1024xf32, #tpu.memory_space<vmem>>) dst(%dma_wait3A_309 : memref<32x1024xf32, #tpu.memory_space<hbm>>)
    %dma_start3A_310 = arith.constant 14 : i32
    %dma_start3A_311 = arith.constant 0 : i32
    %dma_start3A_312 = tpu.memref_slice %arg5[%dma_start3A_310, %dma_start3A_311] : memref<16x32xi32, #tpu.memory_space<vmem>> -> memref<1x32xi32, #tpu.memory_space<vmem>>
    %dma_start3A_313 = tpu.memref_squeeze %dma_start3A_312 : memref<1x32xi32, #tpu.memory_space<vmem>> -> memref<32xi32, #tpu.memory_space<vmem>>
    %dma_start3A_314 = arith.constant 0 : i32
    %dma_start3A_315 = arith.constant 0 : i32
    %dma_start3A_316 = tpu.memref_slice %arg3[%dma_start3A_314, %dma_start3A_315] : memref<100000x1024xf32, #tpu.memory_space<hbm>> -> memref<100000x1024xf32, #tpu.memory_space<hbm>>
    tpu.enqueue_indirect_dma source(%dma_start3A_316 : memref<100000x1024xf32, #tpu.memory_space<hbm>>) target(%arg8 : memref<32x1024xf32, #tpu.memory_space<vmem>>) offsets(%dma_start3A_313 : memref<32xi32, #tpu.memory_space<vmem>>) semaphore(%arg9 : memref<!tpu.dma_semaphore, #tpu.memory_space<semaphore_mem>>)
    %add3A_317 = arith.constant 384 : i32
    %add3A_318 = arith.addi %mul3A_2, %add3A_317 : i32
    %dma_start3A_319 = arith.constant 0 : i32
    %dma_start3A_320 = tpu.memref_slice %arg4[%add3A_318, %dma_start3A_319] : memref<16384x1024xf32, #tpu.memory_space<hbm>> -> memref<32x1024xf32, #tpu.memory_space<hbm>>
    %dma_start3A_321 = arith.constant 0 : i32
    %dma_start3A_322 = tpu.memref_slice %arg4[%add3A_318, %dma_start3A_321] : memref<16384x1024xf32, #tpu.memory_space<hbm>> -> memref<32x1024xf32, #tpu.memory_space<hbm>>
    tpu.enqueue_dma source(%arg6 : memref<32x1024xf32, #tpu.memory_space<vmem>>) target(%dma_start3A_322 : memref<32x1024xf32, #tpu.memory_space<hbm>>) target_semaphore(%arg10 : memref<!tpu.dma_semaphore, #tpu.memory_space<semaphore_mem>>)
    %dma_wait3A_323 = arith.constant 13 : i32
    %dma_wait3A_324 = arith.constant 0 : i32
    %dma_wait3A_325 = tpu.memref_slice %arg5[%dma_wait3A_323, %dma_wait3A_324] : memref<16x32xi32, #tpu.memory_space<vmem>> -> memref<1x32xi32, #tpu.memory_space<vmem>>
    %dma_wait3A_326 = tpu.memref_squeeze %dma_wait3A_325 : memref<1x32xi32, #tpu.memory_space<vmem>> -> memref<32xi32, #tpu.memory_space<vmem>>
    %dma_wait3A_327 = arith.constant 0 : i32
    %dma_wait3A_328 = arith.constant 0 : i32
    %dma_wait3A_329 = tpu.memref_slice %arg3[%dma_wait3A_327, %dma_wait3A_328] : memref<100000x1024xf32, #tpu.memory_space<hbm>> -> memref<100000x1024xf32, #tpu.memory_space<hbm>>
    tpu.wait_indirect_dma semaphore(%arg9 : memref<!tpu.dma_semaphore, #tpu.memory_space<semaphore_mem>>) src(%dma_wait3A_329 : memref<100000x1024xf32, #tpu.memory_space<hbm>>) dst(%arg7 : memref<32x1024xf32, #tpu.memory_space<vmem>>)
    %dma_wait3A_330 = arith.constant 0 : i32
    %dma_wait3A_331 = tpu.memref_slice %arg4[%add3A_318, %dma_wait3A_330] : memref<16384x1024xf32, #tpu.memory_space<hbm>> -> memref<32x1024xf32, #tpu.memory_space<hbm>>
    %dma_wait3A_332 = arith.constant 0 : i32
    %dma_wait3A_333 = tpu.memref_slice %arg4[%add3A_318, %dma_wait3A_332] : memref<16384x1024xf32, #tpu.memory_space<hbm>> -> memref<32x1024xf32, #tpu.memory_space<hbm>>
    tpu.wait_dma2 semaphore(%arg10 : memref<!tpu.dma_semaphore, #tpu.memory_space<semaphore_mem>>) src(%arg6 : memref<32x1024xf32, #tpu.memory_space<vmem>>) dst(%dma_wait3A_333 : memref<32x1024xf32, #tpu.memory_space<hbm>>)
    %dma_start3A_334 = arith.constant 15 : i32
    %dma_start3A_335 = arith.constant 0 : i32
    %dma_start3A_336 = tpu.memref_slice %arg5[%dma_start3A_334, %dma_start3A_335] : memref<16x32xi32, #tpu.memory_space<vmem>> -> memref<1x32xi32, #tpu.memory_space<vmem>>
    %dma_start3A_337 = tpu.memref_squeeze %dma_start3A_336 : memref<1x32xi32, #tpu.memory_space<vmem>> -> memref<32xi32, #tpu.memory_space<vmem>>
    %dma_start3A_338 = arith.constant 0 : i32
    %dma_start3A_339 = arith.constant 0 : i32
    %dma_start3A_340 = tpu.memref_slice %arg3[%dma_start3A_338, %dma_start3A_339] : memref<100000x1024xf32, #tpu.memory_space<hbm>> -> memref<100000x1024xf32, #tpu.memory_space<hbm>>
    tpu.enqueue_indirect_dma source(%dma_start3A_340 : memref<100000x1024xf32, #tpu.memory_space<hbm>>) target(%arg6 : memref<32x1024xf32, #tpu.memory_space<vmem>>) offsets(%dma_start3A_337 : memref<32xi32, #tpu.memory_space<vmem>>) semaphore(%arg9 : memref<!tpu.dma_semaphore, #tpu.memory_space<semaphore_mem>>)
    %add3A_341 = arith.constant 416 : i32
    %add3A_342 = arith.addi %mul3A_2, %add3A_341 : i32
    %dma_start3A_343 = arith.constant 0 : i32
    %dma_start3A_344 = tpu.memref_slice %arg4[%add3A_342, %dma_start3A_343] : memref<16384x1024xf32, #tpu.memory_space<hbm>> -> memref<32x1024xf32, #tpu.memory_space<hbm>>
    %dma_start3A_345 = arith.constant 0 : i32
    %dma_start3A_346 = tpu.memref_slice %arg4[%add3A_342, %dma_start3A_345] : memref<16384x1024xf32, #tpu.memory_space<hbm>> -> memref<32x1024xf32, #tpu.memory_space<hbm>>
    tpu.enqueue_dma source(%arg7 : memref<32x1024xf32, #tpu.memory_space<vmem>>) target(%dma_start3A_346 : memref<32x1024xf32, #tpu.memory_space<hbm>>) target_semaphore(%arg10 : memref<!tpu.dma_semaphore, #tpu.memory_space<semaphore_mem>>)
    %dma_wait3A_347 = arith.constant 14 : i32
    %dma_wait3A_348 = arith.constant 0 : i32
    %dma_wait3A_349 = tpu.memref_slice %arg5[%dma_wait3A_347, %dma_wait3A_348] : memref<16x32xi32, #tpu.memory_space<vmem>> -> memref<1x32xi32, #tpu.memory_space<vmem>>
    %dma_wait3A_350 = tpu.memref_squeeze %dma_wait3A_349 : memref<1x32xi32, #tpu.memory_space<vmem>> -> memref<32xi32, #tpu.memory_space<vmem>>
    %dma_wait3A_351 = arith.constant 0 : i32
    %dma_wait3A_352 = arith.constant 0 : i32
    %dma_wait3A_353 = tpu.memref_slice %arg3[%dma_wait3A_351, %dma_wait3A_352] : memref<100000x1024xf32, #tpu.memory_space<hbm>> -> memref<100000x1024xf32, #tpu.memory_space<hbm>>
    tpu.wait_indirect_dma semaphore(%arg9 : memref<!tpu.dma_semaphore, #tpu.memory_space<semaphore_mem>>) src(%dma_wait3A_353 : memref<100000x1024xf32, #tpu.memory_space<hbm>>) dst(%arg8 : memref<32x1024xf32, #tpu.memory_space<vmem>>)
    %add3A_354 = arith.constant 448 : i32
    %add3A_355 = arith.addi %mul3A_2, %add3A_354 : i32
    %dma_start3A_356 = arith.constant 0 : i32
    %dma_start3A_357 = tpu.memref_slice %arg4[%add3A_355, %dma_start3A_356] : memref<16384x1024xf32, #tpu.memory_space<hbm>> -> memref<32x1024xf32, #tpu.memory_space<hbm>>
    %dma_start3A_358 = arith.constant 0 : i32
    %dma_start3A_359 = tpu.memref_slice %arg4[%add3A_355, %dma_start3A_358] : memref<16384x1024xf32, #tpu.memory_space<hbm>> -> memref<32x1024xf32, #tpu.memory_space<hbm>>
    tpu.enqueue_dma source(%arg8 : memref<32x1024xf32, #tpu.memory_space<vmem>>) target(%dma_start3A_359 : memref<32x1024xf32, #tpu.memory_space<hbm>>) target_semaphore(%arg10 : memref<!tpu.dma_semaphore, #tpu.memory_space<semaphore_mem>>)
    %dma_wait3A_360 = arith.constant 15 : i32
    %dma_wait3A_361 = arith.constant 0 : i32
    %dma_wait3A_362 = tpu.memref_slice %arg5[%dma_wait3A_360, %dma_wait3A_361] : memref<16x32xi32, #tpu.memory_space<vmem>> -> memref<1x32xi32, #tpu.memory_space<vmem>>
    %dma_wait3A_363 = tpu.memref_squeeze %dma_wait3A_362 : memref<1x32xi32, #tpu.memory_space<vmem>> -> memref<32xi32, #tpu.memory_space<vmem>>
    %dma_wait3A_364 = arith.constant 0 : i32
    %dma_wait3A_365 = arith.constant 0 : i32
    %dma_wait3A_366 = tpu.memref_slice %arg3[%dma_wait3A_364, %dma_wait3A_365] : memref<100000x1024xf32, #tpu.memory_space<hbm>> -> memref<100000x1024xf32, #tpu.memory_space<hbm>>
    tpu.wait_indirect_dma semaphore(%arg9 : memref<!tpu.dma_semaphore, #tpu.memory_space<semaphore_mem>>) src(%dma_wait3A_366 : memref<100000x1024xf32, #tpu.memory_space<hbm>>) dst(%arg6 : memref<32x1024xf32, #tpu.memory_space<vmem>>)
    %add3A_367 = arith.constant 480 : i32
    %add3A_368 = arith.addi %mul3A_2, %add3A_367 : i32
    %dma_start3A_369 = arith.constant 0 : i32
    %dma_start3A_370 = tpu.memref_slice %arg4[%add3A_368, %dma_start3A_369] : memref<16384x1024xf32, #tpu.memory_space<hbm>> -> memref<32x1024xf32, #tpu.memory_space<hbm>>
    %dma_start3A_371 = arith.constant 0 : i32
    %dma_start3A_372 = tpu.memref_slice %arg4[%add3A_368, %dma_start3A_371] : memref<16384x1024xf32, #tpu.memory_space<hbm>> -> memref<32x1024xf32, #tpu.memory_space<hbm>>
    tpu.enqueue_dma source(%arg6 : memref<32x1024xf32, #tpu.memory_space<vmem>>) target(%dma_start3A_372 : memref<32x1024xf32, #tpu.memory_space<hbm>>) target_semaphore(%arg10 : memref<!tpu.dma_semaphore, #tpu.memory_space<semaphore_mem>>)
    %dma_wait3A_373 = arith.constant 0 : i32
    %dma_wait3A_374 = tpu.memref_slice %arg4[%add3A_342, %dma_wait3A_373] : memref<16384x1024xf32, #tpu.memory_space<hbm>> -> memref<32x1024xf32, #tpu.memory_space<hbm>>
    %dma_wait3A_375 = arith.constant 0 : i32
    %dma_wait3A_376 = tpu.memref_slice %arg4[%add3A_342, %dma_wait3A_375] : memref<16384x1024xf32, #tpu.memory_space<hbm>> -> memref<32x1024xf32, #tpu.memory_space<hbm>>
    tpu.wait_dma2 semaphore(%arg10 : memref<!tpu.dma_semaphore, #tpu.memory_space<semaphore_mem>>) src(%arg7 : memref<32x1024xf32, #tpu.memory_space<vmem>>) dst(%dma_wait3A_376 : memref<32x1024xf32, #tpu.memory_space<hbm>>)
    %dma_wait3A_377 = arith.constant 0 : i32
    %dma_wait3A_378 = tpu.memref_slice %arg4[%add3A_355, %dma_wait3A_377] : memref<16384x1024xf32, #tpu.memory_space<hbm>> -> memref<32x1024xf32, #tpu.memory_space<hbm>>
    %dma_wait3A_379 = arith.constant 0 : i32
    %dma_wait3A_380 = tpu.memref_slice %arg4[%add3A_355, %dma_wait3A_379] : memref<16384x1024xf32, #tpu.memory_space<hbm>> -> memref<32x1024xf32, #tpu.memory_space<hbm>>
    tpu.wait_dma2 semaphore(%arg10 : memref<!tpu.dma_semaphore, #tpu.memory_space<semaphore_mem>>) src(%arg8 : memref<32x1024xf32, #tpu.memory_space<vmem>>) dst(%dma_wait3A_380 : memref<32x1024xf32, #tpu.memory_space<hbm>>)
    %dma_wait3A_381 = arith.constant 0 : i32
    %dma_wait3A_382 = tpu.memref_slice %arg4[%add3A_368, %dma_wait3A_381] : memref<16384x1024xf32, #tpu.memory_space<hbm>> -> memref<32x1024xf32, #tpu.memory_space<hbm>>
    %dma_wait3A_383 = arith.constant 0 : i32
    %dma_wait3A_384 = tpu.memref_slice %arg4[%add3A_368, %dma_wait3A_383] : memref<16384x1024xf32, #tpu.memory_space<hbm>> -> memref<32x1024xf32, #tpu.memory_space<hbm>>
    tpu.wait_dma2 semaphore(%arg10 : memref<!tpu.dma_semaphore, #tpu.memory_space<semaphore_mem>>) src(%arg6 : memref<32x1024xf32, #tpu.memory_space<vmem>>) dst(%dma_wait3A_384 : memref<32x1024xf32, #tpu.memory_space<hbm>>)
    return
  }
}

</mosaic_0001>

<sc_bundles>
// kernel: kernel.3.cloned.1.call-start
scs
__scs_entry_jumppad:
0x0: {  	(pc) =	sbr.rel $0x88, $3  }
0x1: {  	(tag) =	ssettag $0x0;
	lr =	simm.s32 $0x1  }
0x2: {  	[smem:$0x3F9F] =	sst lr;
	_ =	strace $0xD0000000  }
0x3: {  	_ = 	snop  }
0x4: {  	_ = 	snop  }
0x5: {  	_ = 	snop  }
0x6: {  	_ = 	snop  }
0x7: {  	_ = 	snop  }
__scs_overlays_trampoline_lowered:
0x8: {  	[smem:$0x3FAE] =	sst s0  }
0x9: {  	[smem:$0x3FAF] =	sst s1  }
0xa: {  	[smem:$0x3FB0] =	sst s2  }
0xb: {  	[smem:$0x3FB1] =	sst s3  }
0xc: {  	[smem:$0x3FB2] =	sst s4  }
0xd: {  	[smem:$0x3FB3] =	sst s5  }
0xe: {  	[smem:$0x3FB4] =	sst s6  }
0xf: {  	[smem:$0x3FB5] =	sst s7  }
0x10: {  	[smem:$0x3FB6] =	sst s8  }
0x11: {  	[smem:$0x3FB7] =	sst s9;
	s0 =	simm.s32 @!p0 $0x0  }
0x12: {  	s1 =	sld [smem:$0x3F9D];
	s0 =	simm.s32 @p0 $0x1  }
0x13: {  	[smem:$0x3FB8] =	sst s0;
	s0 =	simm.s32 @!p1 $0x0  }
0x14: {  	s2 =	sld [smem:$0x3F9C];
	s0 =	simm.s32 @p1 $0x1  }
0x15: {  	[smem:$0x3FB9] =	sst s0;
	s0 =	simm.s32 @!p2 $0x0  }
0x16: {  	s3 =	sld [smem:$0x3FDB];
	s0 =	simm.s32 @p2 $0x1  }
0x17: {  	s4 =	simm.s32 $0x1BF5;
	[smem:$0x3FBB] =	sst s0  }
0x18: {  	s0 =	sld [smem:$0x3F9E];
	_ =	swait.ge [sflag:s4], $0x0  }
0x19: {  	s7 =	sld [smem:$0x3F9F]  }
0x1a: {  	s8 =	sadd.s32 $0xFFFFE003, lr  }
0x1b: {  	s9 =	sadd.s32 $0xFFFFFEF7, lr;
	s5 =	simm.s32 $0xFFFFFFFF;
	p2 =	slt.u32 s8, $0xFFFFF086  }
0x1c: {  	p1 =	slt.u32 s9, $0xF7A;
	s5 =	simm.s32 @!p2 $0x0  }
0x1d: {  	s5 =	simm.s32 @p1 $0x1;
	p0 =	seq.s32 s7, s2  }
0x1e: {  	s7 =	smul.u32 @!p0 $0xF7A, s2;
	p2 =	seq.s32 @!p0 s5, $0x0  }
0x1f: {  	s9 =	smul.u32 $0xF7A, s1;
	s8 =	simm.s32 @!p0 $0x1BF5;
	p2 =	por !p2, p0  }
0x20: {  	[sflag:s8] =	ssyncset.s32 @!p0 $0xFFFFF086;
	s6 =	sadd.s32 @!p0 s3, s7;
	s7 =	simm.s32 @!p0 $0x108  }
0x21: {  	s3 =	sadd.s32 s3, s9;
	s6 =	sadd.s32 @!p0 $0x88, s6;
	s7 =	simm.s32 @p2 $0x1082  }
0x22: {  	[simem:s7], [sflag:s8] =	dma.local @!p0 [hbm:s6], $0xF7A  }
0x23: {  	s9 =	sor.u32 $0xD0000000, s2;
	s6 =	simm.s32 $0x108;
	_ =	swait.ge @!p0 [sflag:s8], $0x0  }
0x24: {  	s3 =	sadd.s32 $0x88, s3;
	s6 =	simm.s32 @!p1 $0x1082;
	[sflag:s4] =	ssyncset.s32 $0xFFFFF086  }
0x25: {  	[simem:s6], [sflag:s4] =	dma.local [hbm:s3], $0xF7A  }
0x26: {  	[smem:$0x3F9F] =	sst s1;
	(tag) =	ssettag s2;
	_ =	strace s9  }
0x27: {  	s1 =	sld [smem:$0x3FAF]  }
0x28: {  	s2 =	sld [smem:$0x3FB0]  }
0x29: {  	s4 =	sld [smem:$0x3FB2]  }
0x2a: {  	p0 =	seq.s32 s5, $0x0;
	s5 =	sld [smem:$0x3FB3]  }
0x2b: {  	s6 =	sld [smem:$0x3FB4]  }
0x2c: {  	s7 =	sld [smem:$0x3FB5]  }
0x2d: {  	s3 =	simm.s32 $0x108;
	s8 =	sld [smem:$0x3FB6]  }
0x2e: {  	s3 =	simm.s32 @!p0 $0x1082;
	s9 =	sld [smem:$0x3FB7]  }
0x2f: {  	lr =	sadd.s32 s0, s3;
	s0 =	sld [smem:$0x3FAE]  }
0x30: {  	s3 =	sld [smem:$0x3FB1]  }
0x31: {  	[smem:$0x3FBA] =	sst s10  }
0x32: {  	s10 =	sld [smem:$0x3FB8];
	_ =	sdelay $0x3  }
0x33: {  	p0 =	seq.s32 s10, $0x1;
	s10 =	sld [smem:$0x3FBA];
	_ =	sdelay $0x3  }
0x34: {  	[smem:$0x3FBA] =	sst s10  }
0x35: {  	s10 =	sld [smem:$0x3FB9];
	_ =	sdelay $0x3  }
0x36: {  	p1 =	seq.s32 s10, $0x1;
	s10 =	sld [smem:$0x3FBA];
	_ =	sdelay $0x3  }
0x37: {  	[smem:$0x3FBA] =	sst s10  }
0x38: {  	s10 =	sld [smem:$0x3FBB]  }
0x39: {  	_ = 	snop;
	(pc) =	sbr.ind lr, $3  }
0x3a: {  	_ = 	snop  }
0x3b: {  	_ = 	snop  }
0x3c: {  	p2 =	seq.s32 s10, $0x1;
	s10 =	sld [smem:$0x3FBA]  }
0x3d: {  	_ =	shalt  }
0x3e: {  	_ =	shalt  }
0x3f: {  	_ =	shalt  }
0x40: {  	_ =	shalt  }
0x41: {  	_ =	shalt  }
0x42: {  	_ =	shalt  }
0x43: {  	_ =	shalt  }
0x44: {  	_ =	shalt  }
0x45: {  	_ =	shalt  }
0x46: {  	_ =	shalt  }
0x47: {  	_ =	shalt  }
0x48: {  	_ =	shalt  }
0x49: {  	_ =	shalt  }
0x4a: {  	_ =	shalt  }
0x4b: {  	_ =	shalt  }
0x4c: {  	_ =	shalt  }
0x4d: {  	_ =	shalt  }
0x4e: {  	_ =	shalt  }
0x4f: {  	_ =	shalt  }
0x50: {  	_ =	shalt  }
0x51: {  	_ =	shalt  }
0x52: {  	_ =	shalt  }
0x53: {  	_ =	shalt  }
0x54: {  	_ =	shalt  }
0x55: {  	_ =	shalt  }
0x56: {  	_ =	shalt  }
0x57: {  	_ =	shalt  }
0x58: {  	_ =	shalt  }
0x59: {  	_ =	shalt  }
0x5a: {  	_ =	shalt  }
0x5b: {  	_ =	shalt  }
0x5c: {  	_ =	shalt  }
0x5d: {  	_ =	shalt  }
0x5e: {  	_ =	shalt  }
0x5f: {  	_ =	shalt  }
0x60: {  	_ =	shalt  }
0x61: {  	_ =	shalt  }
0x62: {  	_ =	shalt  }
0x63: {  	_ =	shalt  }
0x64: {  	_ =	shalt  }
0x65: {  	_ =	shalt  }
0x66: {  	_ =	shalt  }
0x67: {  	_ =	shalt  }
0x68: {  	_ =	shalt  }
0x69: {  	_ =	shalt  }
0x6a: {  	_ =	shalt  }
0x6b: {  	_ =	shalt  }
0x6c: {  	_ =	shalt  }
0x6d: {  	_ =	shalt  }
0x6e: {  	_ =	shalt  }
0x6f: {  	_ =	shalt  }
0x70: {  	_ =	shalt  }
0x71: {  	_ =	shalt  }
0x72: {  	_ =	shalt  }
0x73: {  	_ =	shalt  }
0x74: {  	_ =	shalt  }
0x75: {  	_ =	shalt  }
0x76: {  	_ =	shalt  }
0x77: {  	_ =	shalt  }
0x78: {  	_ =	shalt  }
0x79: {  	_ =	shalt  }
0x7a: {  	_ =	shalt  }
0x7b: {  	_ =	shalt  }
0x7c: {  	_ =	shalt  }
0x7d: {  	_ =	shalt  }
0x7e: {  	_ =	shalt  }
0x7f: {  	_ =	shalt  }
0x80: {  	_ =	shalt  }
0x81: {  	_ =	shalt  }
0x82: {  	_ =	shalt  }
0x83: {  	_ =	shalt  }
0x84: {  	_ =	shalt  }
0x85: {  	_ =	shalt  }
0x86: {  	_ =	shalt  }
0x87: {  	_ =	shalt  }
.Lfunc_end0:
.L_simem_size_0:
called_computation_lowered:
.L_overlay_start_0:
0x88: {  	s2 =	sld [smem:$0x3FD9]  }
0x89: {  	s3 =	sld [smem:$0x3FFE];
	_ =	sdelay $0x1  }
0x8a: {  	s1 =	srdreg.scid  }
0x8b: {  	s0 =	sand.u32 $0x1, s1  }
0x8c: {  	s17 =	sshll.u32 s0, $0xA;
	s2 =	sadd.s32 s3, s2  }
0x8d: {  	s2 =	sadd.s32 s2, s17  }
0x8e: {  	[smem:$0x3FC6] =	sst s2  }
0x8f: {  	_ = 	snop  }
0x90: {  	s2 =	sld [smem:$0x3FC8]  }
0x91: {  	s18 =	sld [smem:$0x3FD0];
	(tm) =	ssettm $0x1  }
0x92: {  	s4 =	sld [smem:$0x3FFB];
	_ =	sdelay $0x3  }
0x93: {  	_ =	strace s4  }
0x94: {  	s4 =	sld [smem:$0x3FFC];
	_ =	sdelay $0x3  }
0x95: {  	_ =	strace s4  }
0x96: {  	s4 =	sld [smem:$0x3FFD];
	_ =	sdelay $0x3  }
0x97: {  	_ =	strace s4  }
0x98: {  	_ =	strace $0x8FFFFFFF  }
0x99: {  	s19 =	sld [smem:$0x3FDB];
	_ =	sdelay $0x1  }
0x9a: {  	s5 =	simm.s32 $_scs_section_size  }
0x9b: {  	s6 =	simm.s32 $_size__tile_overlayer_lowered;
	s7 =	simm.s32 $_tile_overlayer_lowered  }
0x9c: {  	s22 =	simm.s32 $0x1BFF;
	s21 =	sshll.u32 s7, $0x1;
	s4 =	sadd.s32 s5, s19  }
0x9d: {  	s8 =	simm.s32 $0x0;
	s20 =	sshll.u32 s6, $0x1;
	s6 =	sadd.s32 s21, s4  }
0x9e: {  	[timem:s8], [sflag:s22] =	dma.local [hbm:s6], s20  }
0x9f: {  	_ =	swait.ge [sflag:s22], s20  }
0xa0: {  	s5 =	ssub.s32 $0x0, s20;
	[sflag:s22] =	ssyncset.done $0x0  }
0xa1: {  	[sflag:s22] =	ssyncadd.s32 s5;
	_ =	sdelay $0x1  }
0xa2: {  	s23 =	simm.s32 $0x1B8B  }
0xa3: {  	_ =	swait.ge [sflag:s23], $0x1  }
0xa4: {  	[sflag:s23] =	ssyncset.done $0x0  }
0xa5: {  	s25 =	simm.s32 $0x1B8E;
	s24 =	sld [smem:$0x3FFE];
	[sflag:s23] =	ssyncadd.s32 $0xFFFFFFFF  }
0xa6: {  	s26 =	simm.s32 $execute0_lowered;
	[smem:$0x3FD2] =	sst s25  }
0xa7: {  	s6 =	sshll.u32 s26, $0x1;
	_ =	strace $0x80000046;
	[dreg:$0x1] =	wrdreg $0xFFFFFFFF  }
0xa8: {  	s28 =	simm.s32 $_size_execute0_lowered;
	s4 =	sadd.s32 s4, s6;
	[dreg:$0x0] =	wrdreg $0x0  }
0xa9: {  	s6 =	sshll.u32 s28, $0x1;
	[dreg:$0x2] =	wrdreg s4  }
0xaa: {  	[dreg:$0x3] =	wrdreg s6  }
0xab: {  	[dreg:$0x4] =	wrdreg $0xC0  }
0xac: {  	_ =	task [dreg:s8], $0x5FFFF  }
0xad: {  	[dreg:$0x1] =	wrdreg $0xFFFFFFFF  }
0xae: {  	[dreg:$0x0] =	wrdreg $0x60  }
0xaf: {  	[dreg:$0x2] =	wrdreg s24  }
0xb0: {  	[dreg:$0x3] =	wrdreg s2  }
0xb1: {  	[dreg:$0x4] =	wrdreg s18  }
0xb2: {  	[dreg:$0x5] =	wrdreg $0x9  }
0xb3: {  	_ =	task.clear_ibuf [dreg:s8], $0x6FFFF;
	_ =	strace $0x90000046  }
0xb4: {  	s29 =	simm.s32 $0x9;
	_ =	strace $0x80000048  }
0xb5: {  	_ =	swait.ge [sflag:s29], $0x1  }
0xb6: {  	[sflag:s29] =	ssyncadd.s32 $0xFFFFFFFF  }
0xb7: {  	_ =	strace $0x90000048  }
0xb8: {  	_ =	sfence  }
0xb9: {  	s30 =	sld [smem:$0x0];
	_ =	sdelay $0x2  }
0xba: {  	s31 =	sshll.u32 s1, $0xD;
	s1 =	sshrl.u32 s1, $0x2  }
0xbb: {  	s3 =	sand.u32 $0x4000, s31;
	s1 =	sadd.s32 s1, s30  }
0xbc: {  	s0 =	sor.u32 s3, s0;
	s1 =	sshll.u32 s1, $0x11  }
0xbd: {  	s0 =	sor.u32 s1, s0  }
0xbe: {  	s0 =	sadd.s32 $0x8F2B, s0  }
0xbf: {  	[sflag:s0] =	ssyncadd.remote.s32 $0x1  }
0xc0: {  	_ =	sfence.sel $0xFFFF  }
0xc1: {  	[dreg:$0x0] =	wrdreg $0xFFFFFFFF;
	(pc) =	sbr.abs _section_cstart, $3  }
0xc2: {  	[dreg:$0x1] =	wrdreg $0xFFFFFFFF  }
0xc3: {  	_ =	task.clear_ibuf [dreg:s8], $0x2FFFF;
	_ =	strace $0x9FFFFFFF  }
0xc4: {  	(tm) =	ssettm $0x7FFFFFFF  }
0xc5: {  	_ =	shalt  }
tec
execute0_lowered:
.L_overlay_start_1:
0x0: {  	(tag) =	ssettag $0x1  }
0x1: {  	s0 =	rddreg [dreg:$0x0]  }
0x2: {  	s1 =	srdreg.scid;
	s3 =	stileid.u32  }
0x3: {  	s2 =	rddreg [dreg:$0x1];
	s1 =	sand.u32 $0x1, s1;
	s3 =	sshll.u32 s3, $0x1  }
0x4: {  	s4 =	rddreg [dreg:$0x2];
	s5 =	sor.u32 s1, s3  }
0x5: {  	s3 =	simm.s32 $0x0;
	s6 =	sshll.u32 s5, $0x8;
	s5 =	sshll.u32 s5, $0x10  }
0x6: {  	[smem:$0x7FF] =	sst s3;
	s0 =	sadd.s32 s6, s0;
	s7 =	sadd.s32 s4, s5  }
0x7: {  	_ =	strace $0x80000047;
	s0 =	sadd.s32 $0x400, s0;
	[dreg:$0x14] =	wrdreg s7  }
0x8: {  	s14 =	sadd.s32 $0x1000, s7;
	[dreg:$0x4] =	wrdreg s0  }
0x9: {  	s15 =	sadd.s32 $0x2000, s7;
	[dreg:$0x5] =	wrdreg s14  }
0xa: {  	s16 =	sadd.s32 $0x3000, s7;
	[dreg:$0x6] =	wrdreg s15  }
0xb: {  	s17 =	sadd.s32 $0x4000, s7;
	[dreg:$0x7] =	wrdreg s16  }
0xc: {  	s18 =	sadd.s32 $0x5000, s7;
	[dreg:$0x8] =	wrdreg s17  }
0xd: {  	s10 =	simm.s32 $0x800;
	s19 =	sadd.s32 $0x6000, s7;
	[dreg:$0x9] =	wrdreg s18  }
0xe: {  	s9 =	simm.s32 $0x1;
	s20 =	sadd.s32 $0x7000, s7;
	[dreg:$0xa] =	wrdreg s19  }
0xf: {  	s28 =	simm.s32 $0x8800;
	s21 =	sadd.s32 $0x8000, s7;
	[dreg:$0xb] =	wrdreg s20  }
0x10: {  	s1 =	ssub.s32 $0x2, s1;
	s22 =	sadd.s32 $0x9000, s7;
	[dreg:$0xc] =	wrdreg s21  }
0x11: {  	s25 =	sshrl.u32 s1, $0x1;
	s23 =	sadd.s32 $0xA000, s7;
	[dreg:$0xd] =	wrdreg s22  }
0x12: {  	s1 =	ssub.s32 s1, s25;
	s24 =	sadd.s32 $0xB000, s7;
	[dreg:$0xe] =	wrdreg s23  }
0x13: {  	s5 =	sadd.s32 $0x100, s2;
	s26 =	sadd.s32 $0xC000, s7;
	[dreg:$0xf] =	wrdreg s24  }
0x14: {  	s6 =	sadd.s32 $0x200, s2;
	s29 =	sadd.s32 $0xD000, s7;
	[dreg:$0x10] =	wrdreg s26  }
0x15: {  	v2 =	vlaneseq.u32;
	s4 =	simm.s32 $0x10800;
	s30 =	sadd.s32 $0xE000, s7;
	[dreg:$0x11] =	wrdreg s29  }
0x16: {  	vm0 =	vmmov $0xffff;
	v1 =	vshrl.u32 v2, $0x3;
	s31 =	sadd.s32 $0xF000, s7;
	s7 =	sadd.s32 $0x300, s2;
	[dreg:$0x12] =	wrdreg s30  }
0x17: {  	v0 =	vand.u32 $0x7, v2;
	v2 =	vor.u32 $0x8, v2;
	v1 =	vmul.u32 $0x8, v1;
	s8 =	smax.u32 s1, $0x1;
	s1 =	simm.s32 $0x2;
	[dreg:$0x13] =	wrdreg s31  }
.LBB2_1:
0x18: {  	s0 =	rddreg [dreg:$0x4];
	s20 =	simm.s32 $0x3  }
0x19: {  	[tilespmem:s3], [sflag:$0x3] =	stream.linear.gather [hbm4b:s0+s3], $0x800, $0x38;
	[tilespmem:$0x18800] =	vst v63  }
0x1a: {  	_ =	swait.ge [sflag:s20], $0x800  }
0x1b: {  	[sflag:s20] =	ssyncset.done $0x0  }
0x1c: {  	[sflag:s20] =	ssyncadd.s32 $0xFFFFF800  }
0x1d: {  	v3 =	vld [tilespmem:$0x0];
	_ =	sdelay $0x4  }
0x1e: {  	v4 =	vshll.u32 v3, $0x3  }
0x1f: {  	v3 =	vand.u32 $0x7, v3;
	v4 =	vand.u32 $0xFFFFFFC0, v4  }
0x20: {  	v3 =	vor.u32 v3, v4  }
0x21: {  	v4 =	vperm.xlane v3, v0;
	_ =	sdelay $0x1  }
0x22: {  	v4 =	vadd.s32 v1, v4;
	_ =	sdelay $0x4  }
0x23: {  	[tilespmem:s10], [sflag:$0x1] =	stream.indirect_vreg.gather [hbm4b:s2+s3], $0x80, v4, vm0, $0xb8;
	[tilespmem:$0x18800] =	vst v63  }
0x24: {  	s21 =	simm.s32 $0x1000;
	v3 =	vperm.xlane v3, v2  }
0x25: {  	[tilespmem:s21], [sflag:$0x1] =	stream.indirect_vreg.gather [hbm4b:s5+s3], $0x80, v4, vm0, $0xb8;
	[tilespmem:$0x18800] =	vst v63  }
0x26: {  	s22 =	simm.s32 $0x1800;
	v3 =	vadd.s32 v1, v3  }
0x27: {  	[tilespmem:s22], [sflag:$0x1] =	stream.indirect_vreg.gather [hbm4b:s6+s3], $0x80, v4, vm0, $0xb8;
	[tilespmem:$0x18800] =	vst v63  }
0x28: {  	s23 =	simm.s32 $0x2000  }
0x29: {  	[tilespmem:s23], [sflag:$0x1] =	stream.indirect_vreg.gather [hbm4b:s7+s3], $0x80, v4, vm0, $0xb8;
	[tilespmem:$0x18800] =	vst v63  }
0x2a: {  	s24 =	simm.s32 $0x2800  }
0x2b: {  	[tilespmem:s24], [sflag:$0x1] =	stream.indirect_vreg.gather [hbm4b:s2+s3], $0x80, v3, vm0, $0xb8;
	[tilespmem:$0x18800] =	vst v63  }
0x2c: {  	s25 =	simm.s32 $0x3000  }
0x2d: {  	[tilespmem:s25], [sflag:$0x1] =	stream.indirect_vreg.gather [hbm4b:s5+s3], $0x80, v3, vm0, $0xb8;
	[tilespmem:$0x18800] =	vst v63  }
0x2e: {  	s29 =	simm.s32 $0x3800  }
0x2f: {  	[tilespmem:s29], [sflag:$0x1] =	stream.indirect_vreg.gather [hbm4b:s6+s3], $0x80, v3, vm0, $0xb8;
	[tilespmem:$0x18800] =	vst v63  }
0x30: {  	s30 =	simm.s32 $0x4000  }
0x31: {  	[tilespmem:s30], [sflag:$0x1] =	stream.indirect_vreg.gather [hbm4b:s7+s3], $0x80, v3, vm0, $0xb8;
	[tilespmem:$0x18800] =	vst v63  }
0x32: {  	v3 =	vld [tilespmem:$0x10];
	_ =	sdelay $0x4  }
0x33: {  	v33 =	vshll.u32 v3, $0x3  }
0x34: {  	v3 =	vand.u32 $0x7, v3;
	v4 =	vand.u32 $0xFFFFFFC0, v33  }
0x35: {  	v3 =	vor.u32 v3, v4  }
0x36: {  	v4 =	vperm.xlane v3, v0;
	_ =	sdelay $0x1  }
0x37: {  	v4 =	vadd.s32 v1, v4;
	_ =	sdelay $0x3  }
0x38: {  	s31 =	simm.s32 $0x4800  }
0x39: {  	[tilespmem:s31], [sflag:$0x1] =	stream.indirect_vreg.gather [hbm4b:s2+s3], $0x80, v4, vm0, $0xb8;
	[tilespmem:$0x18800] =	vst v63  }
0x3a: {  	s11 =	simm.s32 $0x5000;
	v3 =	vperm.xlane v3, v2  }
0x3b: {  	[tilespmem:s11], [sflag:$0x1] =	stream.indirect_vreg.gather [hbm4b:s5+s3], $0x80, v4, vm0, $0xb8;
	[tilespmem:$0x18800] =	vst v63  }
0x3c: {  	s12 =	simm.s32 $0x5800;
	v3 =	vadd.s32 v1, v3  }
0x3d: {  	[tilespmem:s12], [sflag:$0x1] =	stream.indirect_vreg.gather [hbm4b:s6+s3], $0x80, v4, vm0, $0xb8;
	[tilespmem:$0x18800] =	vst v63  }
0x3e: {  	s13 =	simm.s32 $0x6000  }
0x3f: {  	[tilespmem:s13], [sflag:$0x1] =	stream.indirect_vreg.gather [hbm4b:s7+s3], $0x80, v4, vm0, $0xb8;
	[tilespmem:$0x18800] =	vst v63  }
0x40: {  	s14 =	simm.s32 $0x6800  }
0x41: {  	[tilespmem:s14], [sflag:$0x1] =	stream.indirect_vreg.gather [hbm4b:s2+s3], $0x80, v3, vm0, $0xb8;
	[tilespmem:$0x18800] =	vst v63  }
0x42: {  	s15 =	simm.s32 $0x7000  }
0x43: {  	[tilespmem:s15], [sflag:$0x1] =	stream.indirect_vreg.gather [hbm4b:s5+s3], $0x80, v3, vm0, $0xb8;
	[tilespmem:$0x18800] =	vst v63  }
0x44: {  	s20 =	simm.s32 $0x7800  }
0x45: {  	[tilespmem:s20], [sflag:$0x1] =	stream.indirect_vreg.gather [hbm4b:s6+s3], $0x80, v3, vm0, $0xb8;
	[tilespmem:$0x18800] =	vst v63  }
0x46: {  	s21 =	simm.s32 $0x8000  }
0x47: {  	[tilespmem:s21], [sflag:$0x1] =	stream.indirect_vreg.gather [hbm4b:s7+s3], $0x80, v3, vm0, $0xb8;
	[tilespmem:$0x18800] =	vst v63  }
0x48: {  	v3 =	vld [tilespmem:$0x80];
	_ =	sdelay $0x4  }
0x49: {  	v34 =	vshll.u32 v3, $0x3  }
0x4a: {  	v3 =	vand.u32 $0x7, v3;
	v4 =	vand.u32 $0xFFFFFFC0, v34  }
0x4b: {  	v3 =	vor.u32 v3, v4  }
0x4c: {  	v4 =	vperm.xlane v3, v0;
	_ =	sdelay $0x1  }
0x4d: {  	v4 =	vadd.s32 v1, v4;
	_ =	sdelay $0x4  }
0x4e: {  	[tilespmem:s28], [sflag:$0x1] =	stream.indirect_vreg.gather [hbm4b:s2+s3], $0x80, v4, vm0, $0xb8;
	[tilespmem:$0x18800] =	vst v63  }
0x4f: {  	s29 =	simm.s32 $0x9000;
	v3 =	vperm.xlane v3, v2  }
0x50: {  	[tilespmem:s29], [sflag:$0x1] =	stream.indirect_vreg.gather [hbm4b:s5+s3], $0x80, v4, vm0, $0xb8;
	[tilespmem:$0x18800] =	vst v63  }
0x51: {  	s30 =	simm.s32 $0x9800;
	v3 =	vadd.s32 v1, v3  }
0x52: {  	[tilespmem:s30], [sflag:$0x1] =	stream.indirect_vreg.gather [hbm4b:s6+s3], $0x80, v4, vm0, $0xb8;
	[tilespmem:$0x18800] =	vst v63  }
0x53: {  	s31 =	simm.s32 $0xA000  }
0x54: {  	[tilespmem:s31], [sflag:$0x1] =	stream.indirect_vreg.gather [hbm4b:s7+s3], $0x80, v4, vm0, $0xb8;
	[tilespmem:$0x18800] =	vst v63  }
0x55: {  	s29 =	simm.s32 $0xA800  }
0x56: {  	[tilespmem:s29], [sflag:$0x1] =	stream.indirect_vreg.gather [hbm4b:s2+s3], $0x80, v3, vm0, $0xb8;
	[tilespmem:$0x18800] =	vst v63  }
0x57: {  	s30 =	simm.s32 $0xB000  }
0x58: {  	[tilespmem:s30], [sflag:$0x1] =	stream.indirect_vreg.gather [hbm4b:s5+s3], $0x80, v3, vm0, $0xb8;
	[tilespmem:$0x18800] =	vst v63  }
0x59: {  	s31 =	simm.s32 $0xB800  }
0x5a: {  	[tilespmem:s31], [sflag:$0x1] =	stream.indirect_vreg.gather [hbm4b:s6+s3], $0x80, v3, vm0, $0xb8;
	[tilespmem:$0x18800] =	vst v63  }
0x5b: {  	s29 =	simm.s32 $0xC000  }
0x5c: {  	[tilespmem:s29], [sflag:$0x1] =	stream.indirect_vreg.gather [hbm4b:s7+s3], $0x80, v3, vm0, $0xb8;
	[tilespmem:$0x18800] =	vst v63  }
0x5d: {  	v3 =	vld [tilespmem:$0x90];
	_ =	sdelay $0x4  }
0x5e: {  	v35 =	vshll.u32 v3, $0x3  }
0x5f: {  	v3 =	vand.u32 $0x7, v3;
	v4 =	vand.u32 $0xFFFFFFC0, v35  }
0x60: {  	v3 =	vor.u32 v3, v4  }
0x61: {  	v4 =	vperm.xlane v3, v0;
	_ =	sdelay $0x1  }
0x62: {  	v4 =	vadd.s32 v1, v4;
	_ =	sdelay $0x3  }
0x63: {  	s30 =	simm.s32 $0xC800  }
0x64: {  	[tilespmem:s30], [sflag:$0x1] =	stream.indirect_vreg.gather [hbm4b:s2+s3], $0x80, v4, vm0, $0xb8;
	[tilespmem:$0x18800] =	vst v63  }
0x65: {  	s31 =	simm.s32 $0xD000;
	v3 =	vperm.xlane v3, v2  }
0x66: {  	[tilespmem:s31], [sflag:$0x1] =	stream.indirect_vreg.gather [hbm4b:s5+s3], $0x80, v4, vm0, $0xb8;
	[tilespmem:$0x18800] =	vst v63  }
0x67: {  	s0 =	simm.s32 $0xD800;
	v3 =	vadd.s32 v1, v3  }
0x68: {  	[tilespmem:s0], [sflag:$0x1] =	stream.indirect_vreg.gather [hbm4b:s6+s3], $0x80, v4, vm0, $0xb8;
	[tilespmem:$0x18800] =	vst v63  }
0x69: {  	s0 =	simm.s32 $0xE000  }
0x6a: {  	[tilespmem:s0], [sflag:$0x1] =	stream.indirect_vreg.gather [hbm4b:s7+s3], $0x80, v4, vm0, $0xb8;
	[tilespmem:$0x18800] =	vst v63  }
0x6b: {  	s0 =	simm.s32 $0xE800  }
0x6c: {  	[tilespmem:s0], [sflag:$0x1] =	stream.indirect_vreg.gather [hbm4b:s2+s3], $0x80, v3, vm0, $0xb8;
	[tilespmem:$0x18800] =	vst v63  }
0x6d: {  	s0 =	simm.s32 $0xF000  }
0x6e: {  	[tilespmem:s0], [sflag:$0x1] =	stream.indirect_vreg.gather [hbm4b:s5+s3], $0x80, v3, vm0, $0xb8;
	[tilespmem:$0x18800] =	vst v63  }
0x6f: {  	s0 =	simm.s32 $0xF800  }
0x70: {  	[tilespmem:s0], [sflag:$0x1] =	stream.indirect_vreg.gather [hbm4b:s6+s3], $0x80, v3, vm0, $0xb8;
	[tilespmem:$0x18800] =	vst v63  }
0x71: {  	s0 =	simm.s32 $0x10000  }
0x72: {  	[tilespmem:s0], [sflag:$0x1] =	stream.indirect_vreg.gather [hbm4b:s7+s3], $0x80, v3, vm0, $0xb8;
	[tilespmem:$0x18800] =	vst v63  }
0x73: {  	_ =	swait.ge [sflag:s9], $0x8000  }
0x74: {  	[sflag:s9] =	ssyncset.done $0x0  }
0x75: {  	[sflag:s9] =	ssyncadd.s32 $0xFFFF8000  }
0x76: {  	v3 =	vld [tilespmem:$0x100];
	_ =	sdelay $0x4  }
0x77: {  	v36 =	vshll.u32 v3, $0x3  }
0x78: {  	v3 =	vand.u32 $0x7, v3;
	v4 =	vand.u32 $0xFFFFFFC0, v36  }
0x79: {  	v3 =	vor.u32 v3, v4  }
0x7a: {  	v4 =	vperm.xlane v3, v0;
	_ =	sdelay $0x1  }
0x7b: {  	v4 =	vadd.s32 v1, v4;
	_ =	sdelay $0x4  }
0x7c: {  	[tilespmem:s4], [sflag:$0x1] =	stream.indirect_vreg.gather [hbm4b:s2+s3], $0x80, v4, vm0, $0xb8;
	[tilespmem:$0x18800] =	vst v63  }
0x7d: {  	s0 =	simm.s32 $0x11000;
	v3 =	vperm.xlane v3, v2  }
0x7e: {  	[tilespmem:s0], [sflag:$0x1] =	stream.indirect_vreg.gather [hbm4b:s5+s3], $0x80, v4, vm0, $0xb8;
	[tilespmem:$0x18800] =	vst v63  }
0x7f: {  	v3 =	vadd.s32 v1, v3;
	s0 =	simm.s32 $0x11800  }
0x80: {  	[tilespmem:s0], [sflag:$0x1] =	stream.indirect_vreg.gather [hbm4b:s6+s3], $0x80, v4, vm0, $0xb8;
	[tilespmem:$0x18800] =	vst v63  }
0x81: {  	s0 =	simm.s32 $0x12000  }
0x82: {  	[tilespmem:s0], [sflag:$0x1] =	stream.indirect_vreg.gather [hbm4b:s7+s3], $0x80, v4, vm0, $0xb8;
	[tilespmem:$0x18800] =	vst v63  }
0x83: {  	s0 =	simm.s32 $0x12800  }
0x84: {  	[tilespmem:s0], [sflag:$0x1] =	stream.indirect_vreg.gather [hbm4b:s2+s3], $0x80, v3, vm0, $0xb8;
	[tilespmem:$0x18800] =	vst v63  }
0x85: {  	s0 =	simm.s32 $0x13000  }
0x86: {  	[tilespmem:s0], [sflag:$0x1] =	stream.indirect_vreg.gather [hbm4b:s5+s3], $0x80, v3, vm0, $0xb8;
	[tilespmem:$0x18800] =	vst v63  }
0x87: {  	s0 =	simm.s32 $0x13800  }
0x88: {  	[tilespmem:s0], [sflag:$0x1] =	stream.indirect_vreg.gather [hbm4b:s6+s3], $0x80, v3, vm0, $0xb8;
	[tilespmem:$0x18800] =	vst v63  }
0x89: {  	s0 =	simm.s32 $0x14000  }
0x8a: {  	[tilespmem:s0], [sflag:$0x1] =	stream.indirect_vreg.gather [hbm4b:s7+s3], $0x80, v3, vm0, $0xb8;
	[tilespmem:$0x18800] =	vst v63  }
0x8b: {  	v3 =	vld [tilespmem:$0x110];
	_ =	sdelay $0x4  }
0x8c: {  	v37 =	vshll.u32 v3, $0x3  }
0x8d: {  	v3 =	vand.u32 $0x7, v3;
	v4 =	vand.u32 $0xFFFFFFC0, v37  }
0x8e: {  	v3 =	vor.u32 v3, v4  }
0x8f: {  	v4 =	vperm.xlane v3, v0;
	_ =	sdelay $0x1  }
0x90: {  	v4 =	vadd.s32 v1, v4;
	_ =	sdelay $0x3  }
0x91: {  	s0 =	simm.s32 $0x14800  }
0x92: {  	[tilespmem:s0], [sflag:$0x1] =	stream.indirect_vreg.gather [hbm4b:s2+s3], $0x80, v4, vm0, $0xb8;
	[tilespmem:$0x18800] =	vst v63  }
0x93: {  	v3 =	vperm.xlane v3, v2;
	s0 =	simm.s32 $0x15000  }
0x94: {  	[tilespmem:s0], [sflag:$0x1] =	stream.indirect_vreg.gather [hbm4b:s5+s3], $0x80, v4, vm0, $0xb8;
	[tilespmem:$0x18800] =	vst v63  }
0x95: {  	v3 =	vadd.s32 v1, v3;
	s0 =	simm.s32 $0x15800  }
0x96: {  	[tilespmem:s0], [sflag:$0x1] =	stream.indirect_vreg.gather [hbm4b:s6+s3], $0x80, v4, vm0, $0xb8;
	[tilespmem:$0x18800] =	vst v63  }
0x97: {  	s0 =	simm.s32 $0x16000  }
0x98: {  	[tilespmem:s0], [sflag:$0x1] =	stream.indirect_vreg.gather [hbm4b:s7+s3], $0x80, v4, vm0, $0xb8;
	[tilespmem:$0x18800] =	vst v63  }
0x99: {  	s0 =	simm.s32 $0x16800  }
0x9a: {  	[tilespmem:s0], [sflag:$0x1] =	stream.indirect_vreg.gather [hbm4b:s2+s3], $0x80, v3, vm0, $0xb8;
	[tilespmem:$0x18800] =	vst v63  }
0x9b: {  	s0 =	simm.s32 $0x17000  }
0x9c: {  	[tilespmem:s0], [sflag:$0x1] =	stream.indirect_vreg.gather [hbm4b:s5+s3], $0x80, v3, vm0, $0xb8;
	[tilespmem:$0x18800] =	vst v63  }
0x9d: {  	s0 =	simm.s32 $0x17800  }
0x9e: {  	[tilespmem:s0], [sflag:$0x1] =	stream.indirect_vreg.gather [hbm4b:s6+s3], $0x80, v3, vm0, $0xb8;
	[tilespmem:$0x18800] =	vst v63  }
0x9f: {  	s0 =	simm.s32 $0x18000  }
0xa0: {  	[tilespmem:s0], [sflag:$0x1] =	stream.indirect_vreg.gather [hbm4b:s7+s3], $0x80, v3, vm0, $0xb8;
	[tilespmem:$0x18800] =	vst v63  }
0xa1: {  	s0 =	rddreg [dreg:$0x14]  }
0xa2: {  	[hbm4b:s0+s3] =	stream.linear.scatter [tilespmem:s10], [sflag:$0x2], $0x8000, $0x38;
	[tilespmem:$0x18800] =	vst v63  }
0xa3: {  	_ =	swait.ge [sflag:s9], $0x8000  }
0xa4: {  	[sflag:s9] =	ssyncset.done $0x0  }
0xa5: {  	[sflag:s9] =	ssyncadd.s32 $0xFFFF8000  }
0xa6: {  	_ =	swait.ge [sflag:s1], $0x8000  }
0xa7: {  	[sflag:s1] =	ssyncset.done $0x0  }
0xa8: {  	[sflag:s1] =	ssyncadd.s32 $0xFFFF8000  }
0xa9: {  	v3 =	vld [tilespmem:$0x180];
	_ =	sdelay $0x4  }
0xaa: {  	v38 =	vshll.u32 v3, $0x3  }
0xab: {  	v3 =	vand.u32 $0x7, v3;
	v4 =	vand.u32 $0xFFFFFFC0, v38  }
0xac: {  	v3 =	vor.u32 v3, v4  }
0xad: {  	v4 =	vperm.xlane v3, v0;
	_ =	sdelay $0x1  }
0xae: {  	v4 =	vadd.s32 v1, v4;
	_ =	sdelay $0x4  }
0xaf: {  	[tilespmem:s10], [sflag:$0x1] =	stream.indirect_vreg.gather [hbm4b:s2+s3], $0x80, v4, vm0, $0xb8;
	[tilespmem:$0x18800] =	vst v63  }
0xb0: {  	s16 =	simm.s32 $0x1000;
	v3 =	vperm.xlane v3, v2  }
0xb1: {  	[tilespmem:s16], [sflag:$0x1] =	stream.indirect_vreg.gather [hbm4b:s5+s3], $0x80, v4, vm0, $0xb8;
	[tilespmem:$0x18800] =	vst v63  }
0xb2: {  	s26 =	simm.s32 $0x1800;
	v3 =	vadd.s32 v1, v3  }
0xb3: {  	[tilespmem:s26], [sflag:$0x1] =	stream.indirect_vreg.gather [hbm4b:s6+s3], $0x80, v4, vm0, $0xb8;
	[tilespmem:$0x18800] =	vst v63  }
0xb4: {  	s23 =	simm.s32 $0x2000  }
0xb5: {  	[tilespmem:s23], [sflag:$0x1] =	stream.indirect_vreg.gather [hbm4b:s7+s3], $0x80, v4, vm0, $0xb8;
	[tilespmem:$0x18800] =	vst v63  }
0xb6: {  	s24 =	simm.s32 $0x2800  }
0xb7: {  	[tilespmem:s24], [sflag:$0x1] =	stream.indirect_vreg.gather [hbm4b:s2+s3], $0x80, v3, vm0, $0xb8;
	[tilespmem:$0x18800] =	vst v63  }
0xb8: {  	s25 =	simm.s32 $0x3000  }
0xb9: {  	[tilespmem:s25], [sflag:$0x1] =	stream.indirect_vreg.gather [hbm4b:s5+s3], $0x80, v3, vm0, $0xb8;
	[tilespmem:$0x18800] =	vst v63  }
0xba: {  	s22 =	simm.s32 $0x3800  }
0xbb: {  	[tilespmem:s22], [sflag:$0x1] =	stream.indirect_vreg.gather [hbm4b:s6+s3], $0x80, v3, vm0, $0xb8;
	[tilespmem:$0x18800] =	vst v63  }
0xbc: {  	s17 =	simm.s32 $0x4000  }
0xbd: {  	[tilespmem:s17], [sflag:$0x1] =	stream.indirect_vreg.gather [hbm4b:s7+s3], $0x80, v3, vm0, $0xb8;
	[tilespmem:$0x18800] =	vst v63  }
0xbe: {  	v3 =	vld [tilespmem:$0x190];
	_ =	sdelay $0x4  }
0xbf: {  	v39 =	vshll.u32 v3, $0x3  }
0xc0: {  	v3 =	vand.u32 $0x7, v3;
	v4 =	vand.u32 $0xFFFFFFC0, v39  }
0xc1: {  	v3 =	vor.u32 v3, v4  }
0xc2: {  	v4 =	vperm.xlane v3, v0;
	_ =	sdelay $0x1  }
0xc3: {  	v4 =	vadd.s32 v1, v4;
	_ =	sdelay $0x3  }
0xc4: {  	s18 =	simm.s32 $0x4800  }
0xc5: {  	[tilespmem:s18], [sflag:$0x1] =	stream.indirect_vreg.gather [hbm4b:s2+s3], $0x80, v4, vm0, $0xb8;
	[tilespmem:$0x18800] =	vst v63  }
0xc6: {  	s19 =	simm.s32 $0x5000;
	v3 =	vperm.xlane v3, v2  }
0xc7: {  	[tilespmem:s19], [sflag:$0x1] =	stream.indirect_vreg.gather [hbm4b:s5+s3], $0x80, v4, vm0, $0xb8;
	[tilespmem:$0x18800] =	vst v63  }
0xc8: {  	s11 =	simm.s32 $0x5800;
	v3 =	vadd.s32 v1, v3  }
0xc9: {  	[tilespmem:s11], [sflag:$0x1] =	stream.indirect_vreg.gather [hbm4b:s6+s3], $0x80, v4, vm0, $0xb8;
	[tilespmem:$0x18800] =	vst v63  }
0xca: {  	s12 =	simm.s32 $0x6000  }
0xcb: {  	[tilespmem:s12], [sflag:$0x1] =	stream.indirect_vreg.gather [hbm4b:s7+s3], $0x80, v4, vm0, $0xb8;
	[tilespmem:$0x18800] =	vst v63  }
0xcc: {  	s13 =	simm.s32 $0x6800  }
0xcd: {  	[tilespmem:s13], [sflag:$0x1] =	stream.indirect_vreg.gather [hbm4b:s2+s3], $0x80, v3, vm0, $0xb8;
	[tilespmem:$0x18800] =	vst v63  }
0xce: {  	s14 =	simm.s32 $0x7000  }
0xcf: {  	[tilespmem:s14], [sflag:$0x1] =	stream.indirect_vreg.gather [hbm4b:s5+s3], $0x80, v3, vm0, $0xb8;
	[tilespmem:$0x18800] =	vst v63  }
0xd0: {  	s15 =	simm.s32 $0x7800  }
0xd1: {  	[tilespmem:s15], [sflag:$0x1] =	stream.indirect_vreg.gather [hbm4b:s6+s3], $0x80, v3, vm0, $0xb8;
	[tilespmem:$0x18800] =	vst v63  }
0xd2: {  	s20 =	simm.s32 $0x8000  }
0xd3: {  	[tilespmem:s20], [sflag:$0x1] =	stream.indirect_vreg.gather [hbm4b:s7+s3], $0x80, v3, vm0, $0xb8;
	[tilespmem:$0x18800] =	vst v63  }
0xd4: {  	s24 =	rddreg [dreg:$0x5]  }
0xd5: {  	[hbm4b:s24+s3] =	stream.linear.scatter [tilespmem:s28], [sflag:$0x2], $0x8000, $0x38;
	[tilespmem:$0x18800] =	vst v63  }
0xd6: {  	_ =	swait.ge [sflag:s9], $0x8000  }
0xd7: {  	[sflag:s9] =	ssyncset.done $0x0  }
0xd8: {  	[sflag:s9] =	ssyncadd.s32 $0xFFFF8000  }
0xd9: {  	_ =	swait.ge [sflag:s1], $0x8000  }
0xda: {  	[sflag:s1] =	ssyncset.done $0x0  }
0xdb: {  	[sflag:s1] =	ssyncadd.s32 $0xFFFF8000  }
0xdc: {  	v3 =	vld [tilespmem:$0x200];
	_ =	sdelay $0x4  }
0xdd: {  	v40 =	vshll.u32 v3, $0x3  }
0xde: {  	v3 =	vand.u32 $0x7, v3;
	v4 =	vand.u32 $0xFFFFFFC0, v40  }
0xdf: {  	v3 =	vor.u32 v3, v4  }
0xe0: {  	v4 =	vperm.xlane v3, v0;
	_ =	sdelay $0x1  }
0xe1: {  	v4 =	vadd.s32 v1, v4;
	_ =	sdelay $0x4  }
0xe2: {  	[tilespmem:s28], [sflag:$0x1] =	stream.indirect_vreg.gather [hbm4b:s2+s3], $0x80, v4, vm0, $0xb8;
	[tilespmem:$0x18800] =	vst v63  }
0xe3: {  	s21 =	simm.s32 $0x9000;
	v3 =	vperm.xlane v3, v2  }
0xe4: {  	[tilespmem:s21], [sflag:$0x1] =	stream.indirect_vreg.gather [hbm4b:s5+s3], $0x80, v4, vm0, $0xb8;
	[tilespmem:$0x18800] =	vst v63  }
0xe5: {  	v3 =	vadd.s32 v1, v3;
	s21 =	simm.s32 $0x9800  }
0xe6: {  	[tilespmem:s21], [sflag:$0x1] =	stream.indirect_vreg.gather [hbm4b:s6+s3], $0x80, v4, vm0, $0xb8;
	[tilespmem:$0x18800] =	vst v63  }
0xe7: {  	s24 =	simm.s32 $0xA000  }
0xe8: {  	[tilespmem:s24], [sflag:$0x1] =	stream.indirect_vreg.gather [hbm4b:s7+s3], $0x80, v4, vm0, $0xb8;
	[tilespmem:$0x18800] =	vst v63  }
0xe9: {  	s20 =	simm.s32 $0xA800  }
0xea: {  	[tilespmem:s20], [sflag:$0x1] =	stream.indirect_vreg.gather [hbm4b:s2+s3], $0x80, v3, vm0, $0xb8;
	[tilespmem:$0x18800] =	vst v63  }
0xeb: {  	s21 =	simm.s32 $0xB000  }
0xec: {  	[tilespmem:s21], [sflag:$0x1] =	stream.indirect_vreg.gather [hbm4b:s5+s3], $0x80, v3, vm0, $0xb8;
	[tilespmem:$0x18800] =	vst v63  }
0xed: {  	s24 =	simm.s32 $0xB800  }
0xee: {  	[tilespmem:s24], [sflag:$0x1] =	stream.indirect_vreg.gather [hbm4b:s6+s3], $0x80, v3, vm0, $0xb8;
	[tilespmem:$0x18800] =	vst v63  }
0xef: {  	s29 =	simm.s32 $0xC000  }
0xf0: {  	[tilespmem:s29], [sflag:$0x1] =	stream.indirect_vreg.gather [hbm4b:s7+s3], $0x80, v3, vm0, $0xb8;
	[tilespmem:$0x18800] =	vst v63  }
0xf1: {  	v3 =	vld [tilespmem:$0x210];
	_ =	sdelay $0x4  }
0xf2: {  	v41 =	vshll.u32 v3, $0x3  }
0xf3: {  	v3 =	vand.u32 $0x7, v3;
	v4 =	vand.u32 $0xFFFFFFC0, v41  }
0xf4: {  	v3 =	vor.u32 v3, v4  }
0xf5: {  	v4 =	vperm.xlane v3, v0;
	_ =	sdelay $0x1  }
0xf6: {  	v4 =	vadd.s32 v1, v4;
	_ =	sdelay $0x3  }
0xf7: {  	s30 =	simm.s32 $0xC800  }
0xf8: {  	[tilespmem:s30], [sflag:$0x1] =	stream.indirect_vreg.gather [hbm4b:s2+s3], $0x80, v4, vm0, $0xb8;
	[tilespmem:$0x18800] =	vst v63  }
0xf9: {  	s31 =	simm.s32 $0xD000;
	v3 =	vperm.xlane v3, v2  }
0xfa: {  	[tilespmem:s31], [sflag:$0x1] =	stream.indirect_vreg.gather [hbm4b:s5+s3], $0x80, v4, vm0, $0xb8;
	[tilespmem:$0x18800] =	vst v63  }
0xfb: {  	v3 =	vadd.s32 v1, v3;
	s31 =	simm.s32 $0xD800  }
0xfc: {  	[tilespmem:s31], [sflag:$0x1] =	stream.indirect_vreg.gather [hbm4b:s6+s3], $0x80, v4, vm0, $0xb8;
	[tilespmem:$0x18800] =	vst v63  }
0xfd: {  	s20 =	simm.s32 $0xE000  }
0xfe: {  	[tilespmem:s20], [sflag:$0x1] =	stream.indirect_vreg.gather [hbm4b:s7+s3], $0x80, v4, vm0, $0xb8;
	[tilespmem:$0x18800] =	vst v63  }
0xff: {  	s21 =	simm.s32 $0xE800  }
0x100: {  	[tilespmem:s21], [sflag:$0x1] =	stream.indirect_vreg.gather [hbm4b:s2+s3], $0x80, v3, vm0, $0xb8;
	[tilespmem:$0x18800] =	vst v63  }
0x101: {  	s24 =	simm.s32 $0xF000  }
0x102: {  	[tilespmem:s24], [sflag:$0x1] =	stream.indirect_vreg.gather [hbm4b:s5+s3], $0x80, v3, vm0, $0xb8;
	[tilespmem:$0x18800] =	vst v63  }
0x103: {  	s29 =	simm.s32 $0xF800  }
0x104: {  	[tilespmem:s29], [sflag:$0x1] =	stream.indirect_vreg.gather [hbm4b:s6+s3], $0x80, v3, vm0, $0xb8;
	[tilespmem:$0x18800] =	vst v63  }
0x105: {  	s31 =	simm.s32 $0x10000  }
0x106: {  	[tilespmem:s31], [sflag:$0x1] =	stream.indirect_vreg.gather [hbm4b:s7+s3], $0x80, v3, vm0, $0xb8;
	[tilespmem:$0x18800] =	vst v63  }
0x107: {  	s30 =	rddreg [dreg:$0x6]  }
0x108: {  	[hbm4b:s30+s3] =	stream.linear.scatter [tilespmem:s4], [sflag:$0x2], $0x8000, $0x38;
	[tilespmem:$0x18800] =	vst v63  }
0x109: {  	_ =	swait.ge [sflag:s9], $0x8000  }
0x10a: {  	[sflag:s9] =	ssyncset.done $0x0  }
0x10b: {  	[sflag:s9] =	ssyncadd.s32 $0xFFFF8000  }
0x10c: {  	_ =	swait.ge [sflag:s1], $0x8000  }
0x10d: {  	[sflag:s1] =	ssyncset.done $0x0  }
0x10e: {  	[sflag:s1] =	ssyncadd.s32 $0xFFFF8000  }
0x10f: {  	v3 =	vld [tilespmem:$0x280];
	_ =	sdelay $0x4  }
0x110: {  	v42 =	vshll.u32 v3, $0x3  }
0x111: {  	v3 =	vand.u32 $0x7, v3;
	v4 =	vand.u32 $0xFFFFFFC0, v42  }
0x112: {  	v3 =	vor.u32 v3, v4  }
0x113: {  	v4 =	vperm.xlane v3, v0;
	_ =	sdelay $0x1  }
0x114: {  	v4 =	vadd.s32 v1, v4;
	_ =	sdelay $0x4  }
0x115: {  	[tilespmem:s4], [sflag:$0x1] =	stream.indirect_vreg.gather [hbm4b:s2+s3], $0x80, v4, vm0, $0xb8;
	[tilespmem:$0x18800] =	vst v63  }
0x116: {  	s21 =	simm.s32 $0x11000;
	v3 =	vperm.xlane v3, v2  }
0x117: {  	[tilespmem:s21], [sflag:$0x1] =	stream.indirect_vreg.gather [hbm4b:s5+s3], $0x80, v4, vm0, $0xb8;
	[tilespmem:$0x18800] =	vst v63  }
0x118: {  	s24 =	simm.s32 $0x11800;
	v3 =	vadd.s32 v1, v3  }
0x119: {  	[tilespmem:s24], [sflag:$0x1] =	stream.indirect_vreg.gather [hbm4b:s6+s3], $0x80, v4, vm0, $0xb8;
	[tilespmem:$0x18800] =	vst v63  }
0x11a: {  	s29 =	simm.s32 $0x12000  }
0x11b: {  	[tilespmem:s29], [sflag:$0x1] =	stream.indirect_vreg.gather [hbm4b:s7+s3], $0x80, v4, vm0, $0xb8;
	[tilespmem:$0x18800] =	vst v63  }
0x11c: {  	s30 =	simm.s32 $0x12800  }
0x11d: {  	[tilespmem:s30], [sflag:$0x1] =	stream.indirect_vreg.gather [hbm4b:s2+s3], $0x80, v3, vm0, $0xb8;
	[tilespmem:$0x18800] =	vst v63  }
0x11e: {  	s31 =	simm.s32 $0x13000  }
0x11f: {  	[tilespmem:s31], [sflag:$0x1] =	stream.indirect_vreg.gather [hbm4b:s5+s3], $0x80, v3, vm0, $0xb8;
	[tilespmem:$0x18800] =	vst v63  }
0x120: {  	s20 =	simm.s32 $0x13800  }
0x121: {  	[tilespmem:s20], [sflag:$0x1] =	stream.indirect_vreg.gather [hbm4b:s6+s3], $0x80, v3, vm0, $0xb8;
	[tilespmem:$0x18800] =	vst v63  }
0x122: {  	s24 =	simm.s32 $0x14000  }
0x123: {  	[tilespmem:s24], [sflag:$0x1] =	stream.indirect_vreg.gather [hbm4b:s7+s3], $0x80, v3, vm0, $0xb8;
	[tilespmem:$0x18800] =	vst v63  }
0x124: {  	v3 =	vld [tilespmem:$0x290];
	_ =	sdelay $0x4  }
0x125: {  	v43 =	vshll.u32 v3, $0x3  }
0x126: {  	v3 =	vand.u32 $0x7, v3;
	v4 =	vand.u32 $0xFFFFFFC0, v43  }
0x127: {  	v3 =	vor.u32 v3, v4  }
0x128: {  	v4 =	vperm.xlane v3, v0;
	_ =	sdelay $0x1  }
0x129: {  	v4 =	vadd.s32 v1, v4;
	_ =	sdelay $0x3  }
0x12a: {  	s30 =	simm.s32 $0x14800  }
0x12b: {  	[tilespmem:s30], [sflag:$0x1] =	stream.indirect_vreg.gather [hbm4b:s2+s3], $0x80, v4, vm0, $0xb8;
	[tilespmem:$0x18800] =	vst v63  }
0x12c: {  	s31 =	simm.s32 $0x15000;
	v3 =	vperm.xlane v3, v2  }
0x12d: {  	[tilespmem:s31], [sflag:$0x1] =	stream.indirect_vreg.gather [hbm4b:s5+s3], $0x80, v4, vm0, $0xb8;
	[tilespmem:$0x18800] =	vst v63  }
0x12e: {  	s20 =	simm.s32 $0x15800;
	v3 =	vadd.s32 v1, v3  }
0x12f: {  	[tilespmem:s20], [sflag:$0x1] =	stream.indirect_vreg.gather [hbm4b:s6+s3], $0x80, v4, vm0, $0xb8;
	[tilespmem:$0x18800] =	vst v63  }
0x130: {  	s24 =	simm.s32 $0x16000  }
0x131: {  	[tilespmem:s24], [sflag:$0x1] =	stream.indirect_vreg.gather [hbm4b:s7+s3], $0x80, v4, vm0, $0xb8;
	[tilespmem:$0x18800] =	vst v63  }
0x132: {  	s30 =	simm.s32 $0x16800  }
0x133: {  	[tilespmem:s30], [sflag:$0x1] =	stream.indirect_vreg.gather [hbm4b:s2+s3], $0x80, v3, vm0, $0xb8;
	[tilespmem:$0x18800] =	vst v63  }
0x134: {  	s31 =	simm.s32 $0x17000  }
0x135: {  	[tilespmem:s31], [sflag:$0x1] =	stream.indirect_vreg.gather [hbm4b:s5+s3], $0x80, v3, vm0, $0xb8;
	[tilespmem:$0x18800] =	vst v63  }
0x136: {  	s20 =	simm.s32 $0x17800  }
0x137: {  	[tilespmem:s20], [sflag:$0x1] =	stream.indirect_vreg.gather [hbm4b:s6+s3], $0x80, v3, vm0, $0xb8;
	[tilespmem:$0x18800] =	vst v63  }
0x138: {  	s30 =	simm.s32 $0x18000  }
0x139: {  	[tilespmem:s30], [sflag:$0x1] =	stream.indirect_vreg.gather [hbm4b:s7+s3], $0x80, v3, vm0, $0xb8;
	[tilespmem:$0x18800] =	vst v63  }
0x13a: {  	s24 =	rddreg [dreg:$0x7]  }
0x13b: {  	[hbm4b:s24+s3] =	stream.linear.scatter [tilespmem:s10], [sflag:$0x2], $0x8000, $0x38;
	[tilespmem:$0x18800] =	vst v63  }
0x13c: {  	_ =	swait.ge [sflag:s9], $0x8000  }
0x13d: {  	[sflag:s9] =	ssyncset.done $0x0  }
0x13e: {  	[sflag:s9] =	ssyncadd.s32 $0xFFFF8000  }
0x13f: {  	_ =	swait.ge [sflag:s1], $0x8000  }
0x140: {  	[sflag:s1] =	ssyncset.done $0x0  }
0x141: {  	[sflag:s1] =	ssyncadd.s32 $0xFFFF8000  }
0x142: {  	v3 =	vld [tilespmem:$0x300];
	_ =	sdelay $0x4  }
0x143: {  	v44 =	vshll.u32 v3, $0x3  }
0x144: {  	v3 =	vand.u32 $0x7, v3;
	v4 =	vand.u32 $0xFFFFFFC0, v44  }
0x145: {  	v3 =	vor.u32 v3, v4  }
0x146: {  	v4 =	vperm.xlane v3, v0;
	_ =	sdelay $0x1  }
0x147: {  	v4 =	vadd.s32 v1, v4;
	_ =	sdelay $0x4  }
0x148: {  	[tilespmem:s10], [sflag:$0x1] =	stream.indirect_vreg.gather [hbm4b:s2+s3], $0x80, v4, vm0, $0xb8;
	[tilespmem:$0x18800] =	vst v63  }
0x149: {  	s31 =	simm.s32 $0x1000;
	v3 =	vperm.xlane v3, v2  }
0x14a: {  	[tilespmem:s31], [sflag:$0x1] =	stream.indirect_vreg.gather [hbm4b:s5+s3], $0x80, v4, vm0, $0xb8;
	[tilespmem:$0x18800] =	vst v63  }
0x14b: {  	s16 =	simm.s32 $0x1800;
	v3 =	vadd.s32 v1, v3  }
0x14c: {  	[tilespmem:s16], [sflag:$0x1] =	stream.indirect_vreg.gather [hbm4b:s6+s3], $0x80, v4, vm0, $0xb8;
	[tilespmem:$0x18800] =	vst v63  }
0x14d: {  	s24 =	simm.s32 $0x2000  }
0x14e: {  	[tilespmem:s24], [sflag:$0x1] =	stream.indirect_vreg.gather [hbm4b:s7+s3], $0x80, v4, vm0, $0xb8;
	[tilespmem:$0x18800] =	vst v63  }
0x14f: {  	s23 =	simm.s32 $0x2800  }
0x150: {  	[tilespmem:s23], [sflag:$0x1] =	stream.indirect_vreg.gather [hbm4b:s2+s3], $0x80, v3, vm0, $0xb8;
	[tilespmem:$0x18800] =	vst v63  }
0x151: {  	s25 =	simm.s32 $0x3000  }
0x152: {  	[tilespmem:s25], [sflag:$0x1] =	stream.indirect_vreg.gather [hbm4b:s5+s3], $0x80, v3, vm0, $0xb8;
	[tilespmem:$0x18800] =	vst v63  }
0x153: {  	s26 =	simm.s32 $0x3800  }
0x154: {  	[tilespmem:s26], [sflag:$0x1] =	stream.indirect_vreg.gather [hbm4b:s6+s3], $0x80, v3, vm0, $0xb8;
	[tilespmem:$0x18800] =	vst v63  }
0x155: {  	s17 =	simm.s32 $0x4000  }
0x156: {  	[tilespmem:s17], [sflag:$0x1] =	stream.indirect_vreg.gather [hbm4b:s7+s3], $0x80, v3, vm0, $0xb8;
	[tilespmem:$0x18800] =	vst v63  }
0x157: {  	v3 =	vld [tilespmem:$0x310];
	_ =	sdelay $0x4  }
0x158: {  	v45 =	vshll.u32 v3, $0x3  }
0x159: {  	v3 =	vand.u32 $0x7, v3;
	v4 =	vand.u32 $0xFFFFFFC0, v45  }
0x15a: {  	v3 =	vor.u32 v3, v4  }
0x15b: {  	v4 =	vperm.xlane v3, v0;
	_ =	sdelay $0x1  }
0x15c: {  	v4 =	vadd.s32 v1, v4;
	_ =	sdelay $0x3  }
0x15d: {  	s18 =	simm.s32 $0x4800  }
0x15e: {  	[tilespmem:s18], [sflag:$0x1] =	stream.indirect_vreg.gather [hbm4b:s2+s3], $0x80, v4, vm0, $0xb8;
	[tilespmem:$0x18800] =	vst v63  }
0x15f: {  	s19 =	simm.s32 $0x5000;
	v3 =	vperm.xlane v3, v2  }
0x160: {  	[tilespmem:s19], [sflag:$0x1] =	stream.indirect_vreg.gather [hbm4b:s5+s3], $0x80, v4, vm0, $0xb8;
	[tilespmem:$0x18800] =	vst v63  }
0x161: {  	s22 =	simm.s32 $0x5800;
	v3 =	vadd.s32 v1, v3  }
0x162: {  	[tilespmem:s22], [sflag:$0x1] =	stream.indirect_vreg.gather [hbm4b:s6+s3], $0x80, v4, vm0, $0xb8;
	[tilespmem:$0x18800] =	vst v63  }
0x163: {  	s11 =	simm.s32 $0x6000  }
0x164: {  	[tilespmem:s11], [sflag:$0x1] =	stream.indirect_vreg.gather [hbm4b:s7+s3], $0x80, v4, vm0, $0xb8;
	[tilespmem:$0x18800] =	vst v63  }
0x165: {  	s12 =	simm.s32 $0x6800  }
0x166: {  	[tilespmem:s12], [sflag:$0x1] =	stream.indirect_vreg.gather [hbm4b:s2+s3], $0x80, v3, vm0, $0xb8;
	[tilespmem:$0x18800] =	vst v63  }
0x167: {  	s13 =	simm.s32 $0x7000  }
0x168: {  	[tilespmem:s13], [sflag:$0x1] =	stream.indirect_vreg.gather [hbm4b:s5+s3], $0x80, v3, vm0, $0xb8;
	[tilespmem:$0x18800] =	vst v63  }
0x169: {  	s14 =	simm.s32 $0x7800  }
0x16a: {  	[tilespmem:s14], [sflag:$0x1] =	stream.indirect_vreg.gather [hbm4b:s6+s3], $0x80, v3, vm0, $0xb8;
	[tilespmem:$0x18800] =	vst v63  }
0x16b: {  	s15 =	simm.s32 $0x8000  }
0x16c: {  	[tilespmem:s15], [sflag:$0x1] =	stream.indirect_vreg.gather [hbm4b:s7+s3], $0x80, v3, vm0, $0xb8;
	[tilespmem:$0x18800] =	vst v63  }
0x16d: {  	s25 =	rddreg [dreg:$0x8]  }
0x16e: {  	[hbm4b:s25+s3] =	stream.linear.scatter [tilespmem:s28], [sflag:$0x2], $0x8000, $0x38;
	[tilespmem:$0x18800] =	vst v63  }
0x16f: {  	_ =	swait.ge [sflag:s9], $0x8000  }
0x170: {  	[sflag:s9] =	ssyncset.done $0x0  }
0x171: {  	[sflag:s9] =	ssyncadd.s32 $0xFFFF8000  }
0x172: {  	_ =	swait.ge [sflag:s1], $0x8000  }
0x173: {  	[sflag:s1] =	ssyncset.done $0x0  }
0x174: {  	[sflag:s1] =	ssyncadd.s32 $0xFFFF8000  }
0x175: {  	v3 =	vld [tilespmem:$0x380];
	_ =	sdelay $0x4  }
0x176: {  	v46 =	vshll.u32 v3, $0x3  }
0x177: {  	v3 =	vand.u32 $0x7, v3;
	v4 =	vand.u32 $0xFFFFFFC0, v46  }
0x178: {  	v3 =	vor.u32 v3, v4  }
0x179: {  	v4 =	vperm.xlane v3, v0;
	_ =	sdelay $0x1  }
0x17a: {  	v4 =	vadd.s32 v1, v4;
	_ =	sdelay $0x4  }
0x17b: {  	[tilespmem:s28], [sflag:$0x1] =	stream.indirect_vreg.gather [hbm4b:s2+s3], $0x80, v4, vm0, $0xb8;
	[tilespmem:$0x18800] =	vst v63  }
0x17c: {  	s26 =	simm.s32 $0x9000;
	v3 =	vperm.xlane v3, v2  }
0x17d: {  	[tilespmem:s26], [sflag:$0x1] =	stream.indirect_vreg.gather [hbm4b:s5+s3], $0x80, v4, vm0, $0xb8;
	[tilespmem:$0x18800] =	vst v63  }
0x17e: {  	s25 =	simm.s32 $0x9800;
	v3 =	vadd.s32 v1, v3  }
0x17f: {  	[tilespmem:s25], [sflag:$0x1] =	stream.indirect_vreg.gather [hbm4b:s6+s3], $0x80, v4, vm0, $0xb8;
	[tilespmem:$0x18800] =	vst v63  }
0x180: {  	s26 =	simm.s32 $0xA000  }
0x181: {  	[tilespmem:s26], [sflag:$0x1] =	stream.indirect_vreg.gather [hbm4b:s7+s3], $0x80, v4, vm0, $0xb8;
	[tilespmem:$0x18800] =	vst v63  }
0x182: {  	s25 =	simm.s32 $0xA800  }
0x183: {  	[tilespmem:s25], [sflag:$0x1] =	stream.indirect_vreg.gather [hbm4b:s2+s3], $0x80, v3, vm0, $0xb8;
	[tilespmem:$0x18800] =	vst v63  }
0x184: {  	s26 =	simm.s32 $0xB000  }
0x185: {  	[tilespmem:s26], [sflag:$0x1] =	stream.indirect_vreg.gather [hbm4b:s5+s3], $0x80, v3, vm0, $0xb8;
	[tilespmem:$0x18800] =	vst v63  }
0x186: {  	s25 =	simm.s32 $0xB800  }
0x187: {  	[tilespmem:s25], [sflag:$0x1] =	stream.indirect_vreg.gather [hbm4b:s6+s3], $0x80, v3, vm0, $0xb8;
	[tilespmem:$0x18800] =	vst v63  }
0x188: {  	s26 =	simm.s32 $0xC000  }
0x189: {  	[tilespmem:s26], [sflag:$0x1] =	stream.indirect_vreg.gather [hbm4b:s7+s3], $0x80, v3, vm0, $0xb8;
	[tilespmem:$0x18800] =	vst v63  }
0x18a: {  	v3 =	vld [tilespmem:$0x390];
	_ =	sdelay $0x4  }
0x18b: {  	v47 =	vshll.u32 v3, $0x3  }
0x18c: {  	v3 =	vand.u32 $0x7, v3;
	v4 =	vand.u32 $0xFFFFFFC0, v47  }
0x18d: {  	v3 =	vor.u32 v3, v4  }
0x18e: {  	v4 =	vperm.xlane v3, v0;
	_ =	sdelay $0x1  }
0x18f: {  	v4 =	vadd.s32 v1, v4;
	_ =	sdelay $0x3  }
0x190: {  	s25 =	simm.s32 $0xC800  }
0x191: {  	[tilespmem:s25], [sflag:$0x1] =	stream.indirect_vreg.gather [hbm4b:s2+s3], $0x80, v4, vm0, $0xb8;
	[tilespmem:$0x18800] =	vst v63  }
0x192: {  	s26 =	simm.s32 $0xD000;
	v3 =	vperm.xlane v3, v2  }
0x193: {  	[tilespmem:s26], [sflag:$0x1] =	stream.indirect_vreg.gather [hbm4b:s5+s3], $0x80, v4, vm0, $0xb8;
	[tilespmem:$0x18800] =	vst v63  }
0x194: {  	v3 =	vadd.s32 v1, v3;
	s25 =	simm.s32 $0xD800  }
0x195: {  	[tilespmem:s25], [sflag:$0x1] =	stream.indirect_vreg.gather [hbm4b:s6+s3], $0x80, v4, vm0, $0xb8;
	[tilespmem:$0x18800] =	vst v63  }
0x196: {  	s26 =	simm.s32 $0xE000  }
0x197: {  	[tilespmem:s26], [sflag:$0x1] =	stream.indirect_vreg.gather [hbm4b:s7+s3], $0x80, v4, vm0, $0xb8;
	[tilespmem:$0x18800] =	vst v63  }
0x198: {  	s25 =	simm.s32 $0xE800  }
0x199: {  	[tilespmem:s25], [sflag:$0x1] =	stream.indirect_vreg.gather [hbm4b:s2+s3], $0x80, v3, vm0, $0xb8;
	[tilespmem:$0x18800] =	vst v63  }
0x19a: {  	s26 =	simm.s32 $0xF000  }
0x19b: {  	[tilespmem:s26], [sflag:$0x1] =	stream.indirect_vreg.gather [hbm4b:s5+s3], $0x80, v3, vm0, $0xb8;
	[tilespmem:$0x18800] =	vst v63  }
0x19c: {  	s25 =	simm.s32 $0xF800  }
0x19d: {  	[tilespmem:s25], [sflag:$0x1] =	stream.indirect_vreg.gather [hbm4b:s6+s3], $0x80, v3, vm0, $0xb8;
	[tilespmem:$0x18800] =	vst v63  }
0x19e: {  	s26 =	simm.s32 $0x10000  }
0x19f: {  	[tilespmem:s26], [sflag:$0x1] =	stream.indirect_vreg.gather [hbm4b:s7+s3], $0x80, v3, vm0, $0xb8;
	[tilespmem:$0x18800] =	vst v63  }
0x1a0: {  	s0 =	rddreg [dreg:$0x9]  }
0x1a1: {  	[hbm4b:s0+s3] =	stream.linear.scatter [tilespmem:s4], [sflag:$0x2], $0x8000, $0x38;
	[tilespmem:$0x18800] =	vst v63  }
0x1a2: {  	_ =	swait.ge [sflag:s9], $0x8000  }
0x1a3: {  	[sflag:s9] =	ssyncset.done $0x0  }
0x1a4: {  	[sflag:s9] =	ssyncadd.s32 $0xFFFF8000  }
0x1a5: {  	_ =	swait.ge [sflag:s1], $0x8000  }
0x1a6: {  	[sflag:s1] =	ssyncset.done $0x0  }
0x1a7: {  	[sflag:s1] =	ssyncadd.s32 $0xFFFF8000  }
0x1a8: {  	v3 =	vld [tilespmem:$0x400];
	_ =	sdelay $0x4  }
0x1a9: {  	v48 =	vshll.u32 v3, $0x3  }
0x1aa: {  	v3 =	vand.u32 $0x7, v3;
	v4 =	vand.u32 $0xFFFFFFC0, v48  }
0x1ab: {  	v3 =	vor.u32 v3, v4  }
0x1ac: {  	v4 =	vperm.xlane v3, v0;
	_ =	sdelay $0x1  }
0x1ad: {  	v4 =	vadd.s32 v1, v4;
	_ =	sdelay $0x4  }
0x1ae: {  	[tilespmem:s4], [sflag:$0x1] =	stream.indirect_vreg.gather [hbm4b:s2+s3], $0x80, v4, vm0, $0xb8;
	[tilespmem:$0x18800] =	vst v63  }
0x1af: {  	s26 =	simm.s32 $0x11000;
	v3 =	vperm.xlane v3, v2  }
0x1b0: {  	[tilespmem:s26], [sflag:$0x1] =	stream.indirect_vreg.gather [hbm4b:s5+s3], $0x80, v4, vm0, $0xb8;
	[tilespmem:$0x18800] =	vst v63  }
0x1b1: {  	s21 =	simm.s32 $0x11800;
	v3 =	vadd.s32 v1, v3  }
0x1b2: {  	[tilespmem:s21], [sflag:$0x1] =	stream.indirect_vreg.gather [hbm4b:s6+s3], $0x80, v4, vm0, $0xb8;
	[tilespmem:$0x18800] =	vst v63  }
0x1b3: {  	s29 =	simm.s32 $0x12000  }
0x1b4: {  	[tilespmem:s29], [sflag:$0x1] =	stream.indirect_vreg.gather [hbm4b:s7+s3], $0x80, v4, vm0, $0xb8;
	[tilespmem:$0x18800] =	vst v63  }
0x1b5: {  	s25 =	simm.s32 $0x12800  }
0x1b6: {  	[tilespmem:s25], [sflag:$0x1] =	stream.indirect_vreg.gather [hbm4b:s2+s3], $0x80, v3, vm0, $0xb8;
	[tilespmem:$0x18800] =	vst v63  }
0x1b7: {  	s29 =	simm.s32 $0x13000  }
0x1b8: {  	[tilespmem:s29], [sflag:$0x1] =	stream.indirect_vreg.gather [hbm4b:s5+s3], $0x80, v3, vm0, $0xb8;
	[tilespmem:$0x18800] =	vst v63  }
0x1b9: {  	s25 =	simm.s32 $0x13800  }
0x1ba: {  	[tilespmem:s25], [sflag:$0x1] =	stream.indirect_vreg.gather [hbm4b:s6+s3], $0x80, v3, vm0, $0xb8;
	[tilespmem:$0x18800] =	vst v63  }
0x1bb: {  	s29 =	simm.s32 $0x14000  }
0x1bc: {  	[tilespmem:s29], [sflag:$0x1] =	stream.indirect_vreg.gather [hbm4b:s7+s3], $0x80, v3, vm0, $0xb8;
	[tilespmem:$0x18800] =	vst v63  }
0x1bd: {  	v3 =	vld [tilespmem:$0x410];
	_ =	sdelay $0x4  }
0x1be: {  	v49 =	vshll.u32 v3, $0x3  }
0x1bf: {  	v3 =	vand.u32 $0x7, v3;
	v4 =	vand.u32 $0xFFFFFFC0, v49  }
0x1c0: {  	v3 =	vor.u32 v3, v4  }
0x1c1: {  	v4 =	vperm.xlane v3, v0;
	_ =	sdelay $0x1  }
0x1c2: {  	v4 =	vadd.s32 v1, v4;
	_ =	sdelay $0x3  }
0x1c3: {  	s25 =	simm.s32 $0x14800  }
0x1c4: {  	[tilespmem:s25], [sflag:$0x1] =	stream.indirect_vreg.gather [hbm4b:s2+s3], $0x80, v4, vm0, $0xb8;
	[tilespmem:$0x18800] =	vst v63  }
0x1c5: {  	s29 =	simm.s32 $0x15000;
	v3 =	vperm.xlane v3, v2  }
0x1c6: {  	[tilespmem:s29], [sflag:$0x1] =	stream.indirect_vreg.gather [hbm4b:s5+s3], $0x80, v4, vm0, $0xb8;
	[tilespmem:$0x18800] =	vst v63  }
0x1c7: {  	v3 =	vadd.s32 v1, v3;
	s25 =	simm.s32 $0x15800  }
0x1c8: {  	[tilespmem:s25], [sflag:$0x1] =	stream.indirect_vreg.gather [hbm4b:s6+s3], $0x80, v4, vm0, $0xb8;
	[tilespmem:$0x18800] =	vst v63  }
0x1c9: {  	s29 =	simm.s32 $0x16000  }
0x1ca: {  	[tilespmem:s29], [sflag:$0x1] =	stream.indirect_vreg.gather [hbm4b:s7+s3], $0x80, v4, vm0, $0xb8;
	[tilespmem:$0x18800] =	vst v63  }
0x1cb: {  	s25 =	simm.s32 $0x16800  }
0x1cc: {  	[tilespmem:s25], [sflag:$0x1] =	stream.indirect_vreg.gather [hbm4b:s2+s3], $0x80, v3, vm0, $0xb8;
	[tilespmem:$0x18800] =	vst v63  }
0x1cd: {  	s29 =	simm.s32 $0x17000  }
0x1ce: {  	[tilespmem:s29], [sflag:$0x1] =	stream.indirect_vreg.gather [hbm4b:s5+s3], $0x80, v3, vm0, $0xb8;
	[tilespmem:$0x18800] =	vst v63  }
0x1cf: {  	s25 =	simm.s32 $0x17800  }
0x1d0: {  	[tilespmem:s25], [sflag:$0x1] =	stream.indirect_vreg.gather [hbm4b:s6+s3], $0x80, v3, vm0, $0xb8;
	[tilespmem:$0x18800] =	vst v63  }
0x1d1: {  	s20 =	simm.s32 $0x18000  }
0x1d2: {  	[tilespmem:s20], [sflag:$0x1] =	stream.indirect_vreg.gather [hbm4b:s7+s3], $0x80, v3, vm0, $0xb8;
	[tilespmem:$0x18800] =	vst v63  }
0x1d3: {  	s29 =	rddreg [dreg:$0xa]  }
0x1d4: {  	[hbm4b:s29+s3] =	stream.linear.scatter [tilespmem:s10], [sflag:$0x2], $0x8000, $0x38;
	[tilespmem:$0x18800] =	vst v63  }
0x1d5: {  	_ =	swait.ge [sflag:s9], $0x8000  }
0x1d6: {  	[sflag:s9] =	ssyncset.done $0x0  }
0x1d7: {  	[sflag:s9] =	ssyncadd.s32 $0xFFFF8000  }
0x1d8: {  	_ =	swait.ge [sflag:s1], $0x8000  }
0x1d9: {  	[sflag:s1] =	ssyncset.done $0x0  }
0x1da: {  	[sflag:s1] =	ssyncadd.s32 $0xFFFF8000  }
0x1db: {  	v3 =	vld [tilespmem:$0x480];
	_ =	sdelay $0x4  }
0x1dc: {  	v50 =	vshll.u32 v3, $0x3  }
0x1dd: {  	v3 =	vand.u32 $0x7, v3;
	v4 =	vand.u32 $0xFFFFFFC0, v50  }
0x1de: {  	v3 =	vor.u32 v3, v4  }
0x1df: {  	v4 =	vperm.xlane v3, v0;
	_ =	sdelay $0x1  }
0x1e0: {  	v4 =	vadd.s32 v1, v4;
	_ =	sdelay $0x4  }
0x1e1: {  	[tilespmem:s10], [sflag:$0x1] =	stream.indirect_vreg.gather [hbm4b:s2+s3], $0x80, v4, vm0, $0xb8;
	[tilespmem:$0x18800] =	vst v63  }
0x1e2: {  	s20 =	simm.s32 $0x1000;
	v3 =	vperm.xlane v3, v2  }
0x1e3: {  	[tilespmem:s20], [sflag:$0x1] =	stream.indirect_vreg.gather [hbm4b:s5+s3], $0x80, v4, vm0, $0xb8;
	[tilespmem:$0x18800] =	vst v63  }
0x1e4: {  	s16 =	simm.s32 $0x1800;
	v3 =	vadd.s32 v1, v3  }
0x1e5: {  	[tilespmem:s16], [sflag:$0x1] =	stream.indirect_vreg.gather [hbm4b:s6+s3], $0x80, v4, vm0, $0xb8;
	[tilespmem:$0x18800] =	vst v63  }
0x1e6: {  	s24 =	simm.s32 $0x2000  }
0x1e7: {  	[tilespmem:s24], [sflag:$0x1] =	stream.indirect_vreg.gather [hbm4b:s7+s3], $0x80, v4, vm0, $0xb8;
	[tilespmem:$0x18800] =	vst v63  }
0x1e8: {  	s23 =	simm.s32 $0x2800  }
0x1e9: {  	[tilespmem:s23], [sflag:$0x1] =	stream.indirect_vreg.gather [hbm4b:s2+s3], $0x80, v3, vm0, $0xb8;
	[tilespmem:$0x18800] =	vst v63  }
0x1ea: {  	s30 =	simm.s32 $0x3000  }
0x1eb: {  	[tilespmem:s30], [sflag:$0x1] =	stream.indirect_vreg.gather [hbm4b:s5+s3], $0x80, v3, vm0, $0xb8;
	[tilespmem:$0x18800] =	vst v63  }
0x1ec: {  	s31 =	simm.s32 $0x3800  }
0x1ed: {  	[tilespmem:s31], [sflag:$0x1] =	stream.indirect_vreg.gather [hbm4b:s6+s3], $0x80, v3, vm0, $0xb8;
	[tilespmem:$0x18800] =	vst v63  }
0x1ee: {  	s17 =	simm.s32 $0x4000  }
0x1ef: {  	[tilespmem:s17], [sflag:$0x1] =	stream.indirect_vreg.gather [hbm4b:s7+s3], $0x80, v3, vm0, $0xb8;
	[tilespmem:$0x18800] =	vst v63  }
0x1f0: {  	v3 =	vld [tilespmem:$0x490];
	_ =	sdelay $0x4  }
0x1f1: {  	v51 =	vshll.u32 v3, $0x3  }
0x1f2: {  	v3 =	vand.u32 $0x7, v3;
	v4 =	vand.u32 $0xFFFFFFC0, v51  }
0x1f3: {  	v3 =	vor.u32 v3, v4  }
0x1f4: {  	v4 =	vperm.xlane v3, v0;
	_ =	sdelay $0x1  }
0x1f5: {  	v4 =	vadd.s32 v1, v4;
	_ =	sdelay $0x3  }
0x1f6: {  	s18 =	simm.s32 $0x4800  }
0x1f7: {  	[tilespmem:s18], [sflag:$0x1] =	stream.indirect_vreg.gather [hbm4b:s2+s3], $0x80, v4, vm0, $0xb8;
	[tilespmem:$0x18800] =	vst v63  }
0x1f8: {  	s19 =	simm.s32 $0x5000;
	v3 =	vperm.xlane v3, v2  }
0x1f9: {  	[tilespmem:s19], [sflag:$0x1] =	stream.indirect_vreg.gather [hbm4b:s5+s3], $0x80, v4, vm0, $0xb8;
	[tilespmem:$0x18800] =	vst v63  }
0x1fa: {  	s22 =	simm.s32 $0x5800;
	v3 =	vadd.s32 v1, v3  }
0x1fb: {  	[tilespmem:s22], [sflag:$0x1] =	stream.indirect_vreg.gather [hbm4b:s6+s3], $0x80, v4, vm0, $0xb8;
	[tilespmem:$0x18800] =	vst v63  }
0x1fc: {  	s11 =	simm.s32 $0x6000  }
0x1fd: {  	[tilespmem:s11], [sflag:$0x1] =	stream.indirect_vreg.gather [hbm4b:s7+s3], $0x80, v4, vm0, $0xb8;
	[tilespmem:$0x18800] =	vst v63  }
0x1fe: {  	s12 =	simm.s32 $0x6800  }
0x1ff: {  	[tilespmem:s12], [sflag:$0x1] =	stream.indirect_vreg.gather [hbm4b:s2+s3], $0x80, v3, vm0, $0xb8;
	[tilespmem:$0x18800] =	vst v63  }
0x200: {  	s13 =	simm.s32 $0x7000  }
0x201: {  	[tilespmem:s13], [sflag:$0x1] =	stream.indirect_vreg.gather [hbm4b:s5+s3], $0x80, v3, vm0, $0xb8;
	[tilespmem:$0x18800] =	vst v63  }
0x202: {  	s14 =	simm.s32 $0x7800  }
0x203: {  	[tilespmem:s14], [sflag:$0x1] =	stream.indirect_vreg.gather [hbm4b:s6+s3], $0x80, v3, vm0, $0xb8;
	[tilespmem:$0x18800] =	vst v63  }
0x204: {  	s15 =	simm.s32 $0x8000  }
0x205: {  	[tilespmem:s15], [sflag:$0x1] =	stream.indirect_vreg.gather [hbm4b:s7+s3], $0x80, v3, vm0, $0xb8;
	[tilespmem:$0x18800] =	vst v63  }
0x206: {  	s24 =	rddreg [dreg:$0xb]  }
0x207: {  	[hbm4b:s24+s3] =	stream.linear.scatter [tilespmem:s28], [sflag:$0x2], $0x8000, $0x38;
	[tilespmem:$0x18800] =	vst v63  }
0x208: {  	_ =	swait.ge [sflag:s9], $0x8000  }
0x209: {  	[sflag:s9] =	ssyncset.done $0x0  }
0x20a: {  	[sflag:s9] =	ssyncadd.s32 $0xFFFF8000  }
0x20b: {  	_ =	swait.ge [sflag:s1], $0x8000  }
0x20c: {  	[sflag:s1] =	ssyncset.done $0x0  }
0x20d: {  	[sflag:s1] =	ssyncadd.s32 $0xFFFF8000  }
0x20e: {  	v3 =	vld [tilespmem:$0x500];
	_ =	sdelay $0x4  }
0x20f: {  	v52 =	vshll.u32 v3, $0x3  }
0x210: {  	v3 =	vand.u32 $0x7, v3;
	v4 =	vand.u32 $0xFFFFFFC0, v52  }
0x211: {  	v3 =	vor.u32 v3, v4  }
0x212: {  	v4 =	vperm.xlane v3, v0;
	_ =	sdelay $0x1  }
0x213: {  	v4 =	vadd.s32 v1, v4;
	_ =	sdelay $0x4  }
0x214: {  	[tilespmem:s28], [sflag:$0x1] =	stream.indirect_vreg.gather [hbm4b:s2+s3], $0x80, v4, vm0, $0xb8;
	[tilespmem:$0x18800] =	vst v63  }
0x215: {  	s29 =	simm.s32 $0x9000;
	v3 =	vperm.xlane v3, v2  }
0x216: {  	[tilespmem:s29], [sflag:$0x1] =	stream.indirect_vreg.gather [hbm4b:s5+s3], $0x80, v4, vm0, $0xb8;
	[tilespmem:$0x18800] =	vst v63  }
0x217: {  	s30 =	simm.s32 $0x9800;
	v3 =	vadd.s32 v1, v3  }
0x218: {  	[tilespmem:s30], [sflag:$0x1] =	stream.indirect_vreg.gather [hbm4b:s6+s3], $0x80, v4, vm0, $0xb8;
	[tilespmem:$0x18800] =	vst v63  }
0x219: {  	s11 =	simm.s32 $0xA000  }
0x21a: {  	[tilespmem:s11], [sflag:$0x1] =	stream.indirect_vreg.gather [hbm4b:s7+s3], $0x80, v4, vm0, $0xb8;
	[tilespmem:$0x18800] =	vst v63  }
0x21b: {  	s15 =	simm.s32 $0xA800  }
0x21c: {  	[tilespmem:s15], [sflag:$0x1] =	stream.indirect_vreg.gather [hbm4b:s2+s3], $0x80, v3, vm0, $0xb8;
	[tilespmem:$0x18800] =	vst v63  }
0x21d: {  	s24 =	simm.s32 $0xB000  }
0x21e: {  	[tilespmem:s24], [sflag:$0x1] =	stream.indirect_vreg.gather [hbm4b:s5+s3], $0x80, v3, vm0, $0xb8;
	[tilespmem:$0x18800] =	vst v63  }
0x21f: {  	s29 =	simm.s32 $0xB800  }
0x220: {  	[tilespmem:s29], [sflag:$0x1] =	stream.indirect_vreg.gather [hbm4b:s6+s3], $0x80, v3, vm0, $0xb8;
	[tilespmem:$0x18800] =	vst v63  }
0x221: {  	s30 =	simm.s32 $0xC000  }
0x222: {  	[tilespmem:s30], [sflag:$0x1] =	stream.indirect_vreg.gather [hbm4b:s7+s3], $0x80, v3, vm0, $0xb8;
	[tilespmem:$0x18800] =	vst v63  }
0x223: {  	v3 =	vld [tilespmem:$0x510];
	_ =	sdelay $0x4  }
0x224: {  	v53 =	vshll.u32 v3, $0x3  }
0x225: {  	v3 =	vand.u32 $0x7, v3;
	v4 =	vand.u32 $0xFFFFFFC0, v53  }
0x226: {  	v3 =	vor.u32 v3, v4  }
0x227: {  	v4 =	vperm.xlane v3, v0;
	_ =	sdelay $0x1  }
0x228: {  	v4 =	vadd.s32 v1, v4;
	_ =	sdelay $0x3  }
0x229: {  	s11 =	simm.s32 $0xC800  }
0x22a: {  	[tilespmem:s11], [sflag:$0x1] =	stream.indirect_vreg.gather [hbm4b:s2+s3], $0x80, v4, vm0, $0xb8;
	[tilespmem:$0x18800] =	vst v63  }
0x22b: {  	s15 =	simm.s32 $0xD000;
	v3 =	vperm.xlane v3, v2  }
0x22c: {  	[tilespmem:s15], [sflag:$0x1] =	stream.indirect_vreg.gather [hbm4b:s5+s3], $0x80, v4, vm0, $0xb8;
	[tilespmem:$0x18800] =	vst v63  }
0x22d: {  	s24 =	simm.s32 $0xD800;
	v3 =	vadd.s32 v1, v3  }
0x22e: {  	[tilespmem:s24], [sflag:$0x1] =	stream.indirect_vreg.gather [hbm4b:s6+s3], $0x80, v4, vm0, $0xb8;
	[tilespmem:$0x18800] =	vst v63  }
0x22f: {  	s29 =	simm.s32 $0xE000  }
0x230: {  	[tilespmem:s29], [sflag:$0x1] =	stream.indirect_vreg.gather [hbm4b:s7+s3], $0x80, v4, vm0, $0xb8;
	[tilespmem:$0x18800] =	vst v63  }
0x231: {  	s30 =	simm.s32 $0xE800  }
0x232: {  	[tilespmem:s30], [sflag:$0x1] =	stream.indirect_vreg.gather [hbm4b:s2+s3], $0x80, v3, vm0, $0xb8;
	[tilespmem:$0x18800] =	vst v63  }
0x233: {  	s11 =	simm.s32 $0xF000  }
0x234: {  	[tilespmem:s11], [sflag:$0x1] =	stream.indirect_vreg.gather [hbm4b:s5+s3], $0x80, v3, vm0, $0xb8;
	[tilespmem:$0x18800] =	vst v63  }
0x235: {  	s15 =	simm.s32 $0xF800  }
0x236: {  	[tilespmem:s15], [sflag:$0x1] =	stream.indirect_vreg.gather [hbm4b:s6+s3], $0x80, v3, vm0, $0xb8;
	[tilespmem:$0x18800] =	vst v63  }
0x237: {  	s29 =	simm.s32 $0x10000  }
0x238: {  	[tilespmem:s29], [sflag:$0x1] =	stream.indirect_vreg.gather [hbm4b:s7+s3], $0x80, v3, vm0, $0xb8;
	[tilespmem:$0x18800] =	vst v63  }
0x239: {  	s24 =	rddreg [dreg:$0xc]  }
0x23a: {  	[hbm4b:s24+s3] =	stream.linear.scatter [tilespmem:s4], [sflag:$0x2], $0x8000, $0x38;
	[tilespmem:$0x18800] =	vst v63  }
0x23b: {  	_ =	swait.ge [sflag:s9], $0x8000  }
0x23c: {  	[sflag:s9] =	ssyncset.done $0x0  }
0x23d: {  	[sflag:s9] =	ssyncadd.s32 $0xFFFF8000  }
0x23e: {  	_ =	swait.ge [sflag:s1], $0x8000  }
0x23f: {  	[sflag:s1] =	ssyncset.done $0x0  }
0x240: {  	[sflag:s1] =	ssyncadd.s32 $0xFFFF8000  }
0x241: {  	v3 =	vld [tilespmem:$0x580];
	_ =	sdelay $0x4  }
0x242: {  	v54 =	vshll.u32 v3, $0x3  }
0x243: {  	v3 =	vand.u32 $0x7, v3;
	v4 =	vand.u32 $0xFFFFFFC0, v54  }
0x244: {  	v3 =	vor.u32 v3, v4  }
0x245: {  	v4 =	vperm.xlane v3, v0;
	_ =	sdelay $0x1  }
0x246: {  	v4 =	vadd.s32 v1, v4;
	_ =	sdelay $0x4  }
0x247: {  	[tilespmem:s4], [sflag:$0x1] =	stream.indirect_vreg.gather [hbm4b:s2+s3], $0x80, v4, vm0, $0xb8;
	[tilespmem:$0x18800] =	vst v63  }
0x248: {  	s30 =	simm.s32 $0x11000;
	v3 =	vperm.xlane v3, v2  }
0x249: {  	[tilespmem:s30], [sflag:$0x1] =	stream.indirect_vreg.gather [hbm4b:s5+s3], $0x80, v4, vm0, $0xb8;
	[tilespmem:$0x18800] =	vst v63  }
0x24a: {  	s11 =	simm.s32 $0x11800;
	v3 =	vadd.s32 v1, v3  }
0x24b: {  	[tilespmem:s11], [sflag:$0x1] =	stream.indirect_vreg.gather [hbm4b:s6+s3], $0x80, v4, vm0, $0xb8;
	[tilespmem:$0x18800] =	vst v63  }
0x24c: {  	s26 =	simm.s32 $0x12000  }
0x24d: {  	[tilespmem:s26], [sflag:$0x1] =	stream.indirect_vreg.gather [hbm4b:s7+s3], $0x80, v4, vm0, $0xb8;
	[tilespmem:$0x18800] =	vst v63  }
0x24e: {  	s21 =	simm.s32 $0x12800  }
0x24f: {  	[tilespmem:s21], [sflag:$0x1] =	stream.indirect_vreg.gather [hbm4b:s2+s3], $0x80, v3, vm0, $0xb8;
	[tilespmem:$0x18800] =	vst v63  }
0x250: {  	s15 =	simm.s32 $0x13000  }
0x251: {  	[tilespmem:s15], [sflag:$0x1] =	stream.indirect_vreg.gather [hbm4b:s5+s3], $0x80, v3, vm0, $0xb8;
	[tilespmem:$0x18800] =	vst v63  }
0x252: {  	s21 =	simm.s32 $0x13800  }
0x253: {  	[tilespmem:s21], [sflag:$0x1] =	stream.indirect_vreg.gather [hbm4b:s6+s3], $0x80, v3, vm0, $0xb8;
	[tilespmem:$0x18800] =	vst v63  }
0x254: {  	s26 =	simm.s32 $0x14000  }
0x255: {  	[tilespmem:s26], [sflag:$0x1] =	stream.indirect_vreg.gather [hbm4b:s7+s3], $0x80, v3, vm0, $0xb8;
	[tilespmem:$0x18800] =	vst v63  }
0x256: {  	v3 =	vld [tilespmem:$0x590];
	_ =	sdelay $0x4  }
0x257: {  	v55 =	vshll.u32 v3, $0x3  }
0x258: {  	v3 =	vand.u32 $0x7, v3;
	v4 =	vand.u32 $0xFFFFFFC0, v55  }
0x259: {  	v3 =	vor.u32 v3, v4  }
0x25a: {  	v4 =	vperm.xlane v3, v0;
	_ =	sdelay $0x1  }
0x25b: {  	v4 =	vadd.s32 v1, v4;
	_ =	sdelay $0x3  }
0x25c: {  	s30 =	simm.s32 $0x14800  }
0x25d: {  	[tilespmem:s30], [sflag:$0x1] =	stream.indirect_vreg.gather [hbm4b:s2+s3], $0x80, v4, vm0, $0xb8;
	[tilespmem:$0x18800] =	vst v63  }
0x25e: {  	s15 =	simm.s32 $0x15000;
	v3 =	vperm.xlane v3, v2  }
0x25f: {  	[tilespmem:s15], [sflag:$0x1] =	stream.indirect_vreg.gather [hbm4b:s5+s3], $0x80, v4, vm0, $0xb8;
	[tilespmem:$0x18800] =	vst v63  }
0x260: {  	s21 =	simm.s32 $0x15800;
	v3 =	vadd.s32 v1, v3  }
0x261: {  	[tilespmem:s21], [sflag:$0x1] =	stream.indirect_vreg.gather [hbm4b:s6+s3], $0x80, v4, vm0, $0xb8;
	[tilespmem:$0x18800] =	vst v63  }
0x262: {  	s26 =	simm.s32 $0x16000  }
0x263: {  	[tilespmem:s26], [sflag:$0x1] =	stream.indirect_vreg.gather [hbm4b:s7+s3], $0x80, v4, vm0, $0xb8;
	[tilespmem:$0x18800] =	vst v63  }
0x264: {  	s30 =	simm.s32 $0x16800  }
0x265: {  	[tilespmem:s30], [sflag:$0x1] =	stream.indirect_vreg.gather [hbm4b:s2+s3], $0x80, v3, vm0, $0xb8;
	[tilespmem:$0x18800] =	vst v63  }
0x266: {  	s15 =	simm.s32 $0x17000  }
0x267: {  	[tilespmem:s15], [sflag:$0x1] =	stream.indirect_vreg.gather [hbm4b:s5+s3], $0x80, v3, vm0, $0xb8;
	[tilespmem:$0x18800] =	vst v63  }
0x268: {  	s21 =	simm.s32 $0x17800  }
0x269: {  	[tilespmem:s21], [sflag:$0x1] =	stream.indirect_vreg.gather [hbm4b:s6+s3], $0x80, v3, vm0, $0xb8;
	[tilespmem:$0x18800] =	vst v63  }
0x26a: {  	s25 =	simm.s32 $0x18000  }
0x26b: {  	[tilespmem:s25], [sflag:$0x1] =	stream.indirect_vreg.gather [hbm4b:s7+s3], $0x80, v3, vm0, $0xb8;
	[tilespmem:$0x18800] =	vst v63  }
0x26c: {  	s26 =	rddreg [dreg:$0xd]  }
0x26d: {  	[hbm4b:s26+s3] =	stream.linear.scatter [tilespmem:s10], [sflag:$0x2], $0x8000, $0x38;
	[tilespmem:$0x18800] =	vst v63  }
0x26e: {  	_ =	swait.ge [sflag:s9], $0x8000  }
0x26f: {  	[sflag:s9] =	ssyncset.done $0x0  }
0x270: {  	[sflag:s9] =	ssyncadd.s32 $0xFFFF8000  }
0x271: {  	_ =	swait.ge [sflag:s1], $0x8000  }
0x272: {  	[sflag:s1] =	ssyncset.done $0x0  }
0x273: {  	[sflag:s1] =	ssyncadd.s32 $0xFFFF8000  }
0x274: {  	v3 =	vld [tilespmem:$0x600];
	_ =	sdelay $0x4  }
0x275: {  	v56 =	vshll.u32 v3, $0x3  }
0x276: {  	v3 =	vand.u32 $0x7, v3;
	v4 =	vand.u32 $0xFFFFFFC0, v56  }
0x277: {  	v3 =	vor.u32 v3, v4  }
0x278: {  	v4 =	vperm.xlane v3, v0;
	_ =	sdelay $0x1  }
0x279: {  	v4 =	vadd.s32 v1, v4;
	_ =	sdelay $0x4  }
0x27a: {  	[tilespmem:s10], [sflag:$0x1] =	stream.indirect_vreg.gather [hbm4b:s2+s3], $0x80, v4, vm0, $0xb8;
	[tilespmem:$0x18800] =	vst v63  }
0x27b: {  	s20 =	simm.s32 $0x1000;
	v3 =	vperm.xlane v3, v2  }
0x27c: {  	[tilespmem:s20], [sflag:$0x1] =	stream.indirect_vreg.gather [hbm4b:s5+s3], $0x80, v4, vm0, $0xb8;
	[tilespmem:$0x18800] =	vst v63  }
0x27d: {  	s16 =	simm.s32 $0x1800;
	v3 =	vadd.s32 v1, v3  }
0x27e: {  	[tilespmem:s16], [sflag:$0x1] =	stream.indirect_vreg.gather [hbm4b:s6+s3], $0x80, v4, vm0, $0xb8;
	[tilespmem:$0x18800] =	vst v63  }
0x27f: {  	s30 =	simm.s32 $0x2000  }
0x280: {  	[tilespmem:s30], [sflag:$0x1] =	stream.indirect_vreg.gather [hbm4b:s7+s3], $0x80, v4, vm0, $0xb8;
	[tilespmem:$0x18800] =	vst v63  }
0x281: {  	s16 =	simm.s32 $0x2800  }
0x282: {  	[tilespmem:s16], [sflag:$0x1] =	stream.indirect_vreg.gather [hbm4b:s2+s3], $0x80, v3, vm0, $0xb8;
	[tilespmem:$0x18800] =	vst v63  }
0x283: {  	s25 =	simm.s32 $0x3000  }
0x284: {  	[tilespmem:s25], [sflag:$0x1] =	stream.indirect_vreg.gather [hbm4b:s5+s3], $0x80, v3, vm0, $0xb8;
	[tilespmem:$0x18800] =	vst v63  }
0x285: {  	s16 =	simm.s32 $0x3800  }
0x286: {  	[tilespmem:s16], [sflag:$0x1] =	stream.indirect_vreg.gather [hbm4b:s6+s3], $0x80, v3, vm0, $0xb8;
	[tilespmem:$0x18800] =	vst v63  }
0x287: {  	s17 =	simm.s32 $0x4000  }
0x288: {  	[tilespmem:s17], [sflag:$0x1] =	stream.indirect_vreg.gather [hbm4b:s7+s3], $0x80, v3, vm0, $0xb8;
	[tilespmem:$0x18800] =	vst v63  }
0x289: {  	v3 =	vld [tilespmem:$0x610];
	_ =	sdelay $0x4  }
0x28a: {  	v57 =	vshll.u32 v3, $0x3  }
0x28b: {  	v3 =	vand.u32 $0x7, v3;
	v4 =	vand.u32 $0xFFFFFFC0, v57  }
0x28c: {  	v3 =	vor.u32 v3, v4  }
0x28d: {  	v4 =	vperm.xlane v3, v0;
	_ =	sdelay $0x1  }
0x28e: {  	v4 =	vadd.s32 v1, v4;
	_ =	sdelay $0x3  }
0x28f: {  	s18 =	simm.s32 $0x4800  }
0x290: {  	[tilespmem:s18], [sflag:$0x1] =	stream.indirect_vreg.gather [hbm4b:s2+s3], $0x80, v4, vm0, $0xb8;
	[tilespmem:$0x18800] =	vst v63  }
0x291: {  	s19 =	simm.s32 $0x5000;
	v3 =	vperm.xlane v3, v2  }
0x292: {  	[tilespmem:s19], [sflag:$0x1] =	stream.indirect_vreg.gather [hbm4b:s5+s3], $0x80, v4, vm0, $0xb8;
	[tilespmem:$0x18800] =	vst v63  }
0x293: {  	s31 =	simm.s32 $0x5800;
	v3 =	vadd.s32 v1, v3  }
0x294: {  	[tilespmem:s31], [sflag:$0x1] =	stream.indirect_vreg.gather [hbm4b:s6+s3], $0x80, v4, vm0, $0xb8;
	[tilespmem:$0x18800] =	vst v63  }
0x295: {  	s23 =	simm.s32 $0x6000  }
0x296: {  	[tilespmem:s23], [sflag:$0x1] =	stream.indirect_vreg.gather [hbm4b:s7+s3], $0x80, v4, vm0, $0xb8;
	[tilespmem:$0x18800] =	vst v63  }
0x297: {  	s12 =	simm.s32 $0x6800  }
0x298: {  	[tilespmem:s12], [sflag:$0x1] =	stream.indirect_vreg.gather [hbm4b:s2+s3], $0x80, v3, vm0, $0xb8;
	[tilespmem:$0x18800] =	vst v63  }
0x299: {  	s13 =	simm.s32 $0x7000  }
0x29a: {  	[tilespmem:s13], [sflag:$0x1] =	stream.indirect_vreg.gather [hbm4b:s5+s3], $0x80, v3, vm0, $0xb8;
	[tilespmem:$0x18800] =	vst v63  }
0x29b: {  	s14 =	simm.s32 $0x7800  }
0x29c: {  	[tilespmem:s14], [sflag:$0x1] =	stream.indirect_vreg.gather [hbm4b:s6+s3], $0x80, v3, vm0, $0xb8;
	[tilespmem:$0x18800] =	vst v63  }
0x29d: {  	s22 =	simm.s32 $0x8000  }
0x29e: {  	[tilespmem:s22], [sflag:$0x1] =	stream.indirect_vreg.gather [hbm4b:s7+s3], $0x80, v3, vm0, $0xb8;
	[tilespmem:$0x18800] =	vst v63  }
0x29f: {  	s23 =	rddreg [dreg:$0xe]  }
0x2a0: {  	[hbm4b:s23+s3] =	stream.linear.scatter [tilespmem:s28], [sflag:$0x2], $0x8000, $0x38;
	[tilespmem:$0x18800] =	vst v63  }
0x2a1: {  	_ =	swait.ge [sflag:s9], $0x8000  }
0x2a2: {  	[sflag:s9] =	ssyncset.done $0x0  }
0x2a3: {  	[sflag:s9] =	ssyncadd.s32 $0xFFFF8000  }
0x2a4: {  	_ =	swait.ge [sflag:s1], $0x8000  }
0x2a5: {  	[sflag:s1] =	ssyncset.done $0x0  }
0x2a6: {  	[sflag:s1] =	ssyncadd.s32 $0xFFFF8000  }
0x2a7: {  	v3 =	vld [tilespmem:$0x680];
	_ =	sdelay $0x4  }
0x2a8: {  	v58 =	vshll.u32 v3, $0x3  }
0x2a9: {  	v3 =	vand.u32 $0x7, v3;
	v4 =	vand.u32 $0xFFFFFFC0, v58  }
0x2aa: {  	v3 =	vor.u32 v3, v4  }
0x2ab: {  	v4 =	vperm.xlane v3, v0;
	_ =	sdelay $0x1  }
0x2ac: {  	v4 =	vadd.s32 v1, v4;
	_ =	sdelay $0x4  }
0x2ad: {  	[tilespmem:s28], [sflag:$0x1] =	stream.indirect_vreg.gather [hbm4b:s2+s3], $0x80, v4, vm0, $0xb8;
	[tilespmem:$0x18800] =	vst v63  }
0x2ae: {  	s23 =	simm.s32 $0x9000;
	v3 =	vperm.xlane v3, v2  }
0x2af: {  	[tilespmem:s23], [sflag:$0x1] =	stream.indirect_vreg.gather [hbm4b:s5+s3], $0x80, v4, vm0, $0xb8;
	[tilespmem:$0x18800] =	vst v63  }
0x2b0: {  	s22 =	simm.s32 $0x9800;
	v3 =	vadd.s32 v1, v3  }
0x2b1: {  	[tilespmem:s22], [sflag:$0x1] =	stream.indirect_vreg.gather [hbm4b:s6+s3], $0x80, v4, vm0, $0xb8;
	[tilespmem:$0x18800] =	vst v63  }
0x2b2: {  	s23 =	simm.s32 $0xA000  }
0x2b3: {  	[tilespmem:s23], [sflag:$0x1] =	stream.indirect_vreg.gather [hbm4b:s7+s3], $0x80, v4, vm0, $0xb8;
	[tilespmem:$0x18800] =	vst v63  }
0x2b4: {  	s22 =	simm.s32 $0xA800  }
0x2b5: {  	[tilespmem:s22], [sflag:$0x1] =	stream.indirect_vreg.gather [hbm4b:s2+s3], $0x80, v3, vm0, $0xb8;
	[tilespmem:$0x18800] =	vst v63  }
0x2b6: {  	s23 =	simm.s32 $0xB000  }
0x2b7: {  	[tilespmem:s23], [sflag:$0x1] =	stream.indirect_vreg.gather [hbm4b:s5+s3], $0x80, v3, vm0, $0xb8;
	[tilespmem:$0x18800] =	vst v63  }
0x2b8: {  	s22 =	simm.s32 $0xB800  }
0x2b9: {  	[tilespmem:s22], [sflag:$0x1] =	stream.indirect_vreg.gather [hbm4b:s6+s3], $0x80, v3, vm0, $0xb8;
	[tilespmem:$0x18800] =	vst v63  }
0x2ba: {  	s23 =	simm.s32 $0xC000  }
0x2bb: {  	[tilespmem:s23], [sflag:$0x1] =	stream.indirect_vreg.gather [hbm4b:s7+s3], $0x80, v3, vm0, $0xb8;
	[tilespmem:$0x18800] =	vst v63  }
0x2bc: {  	v3 =	vld [tilespmem:$0x690];
	_ =	sdelay $0x4  }
0x2bd: {  	v59 =	vshll.u32 v3, $0x3  }
0x2be: {  	v3 =	vand.u32 $0x7, v3;
	v4 =	vand.u32 $0xFFFFFFC0, v59  }
0x2bf: {  	v3 =	vor.u32 v3, v4  }
0x2c0: {  	v4 =	vperm.xlane v3, v0;
	_ =	sdelay $0x1  }
0x2c1: {  	v4 =	vadd.s32 v1, v4;
	_ =	sdelay $0x3  }
0x2c2: {  	s22 =	simm.s32 $0xC800  }
0x2c3: {  	[tilespmem:s22], [sflag:$0x1] =	stream.indirect_vreg.gather [hbm4b:s2+s3], $0x80, v4, vm0, $0xb8;
	[tilespmem:$0x18800] =	vst v63  }
0x2c4: {  	s23 =	simm.s32 $0xD000;
	v3 =	vperm.xlane v3, v2  }
0x2c5: {  	[tilespmem:s23], [sflag:$0x1] =	stream.indirect_vreg.gather [hbm4b:s5+s3], $0x80, v4, vm0, $0xb8;
	[tilespmem:$0x18800] =	vst v63  }
0x2c6: {  	v3 =	vadd.s32 v1, v3;
	s22 =	simm.s32 $0xD800  }
0x2c7: {  	[tilespmem:s22], [sflag:$0x1] =	stream.indirect_vreg.gather [hbm4b:s6+s3], $0x80, v4, vm0, $0xb8;
	[tilespmem:$0x18800] =	vst v63  }
0x2c8: {  	s23 =	simm.s32 $0xE000  }
0x2c9: {  	[tilespmem:s23], [sflag:$0x1] =	stream.indirect_vreg.gather [hbm4b:s7+s3], $0x80, v4, vm0, $0xb8;
	[tilespmem:$0x18800] =	vst v63  }
0x2ca: {  	s22 =	simm.s32 $0xE800  }
0x2cb: {  	[tilespmem:s22], [sflag:$0x1] =	stream.indirect_vreg.gather [hbm4b:s2+s3], $0x80, v3, vm0, $0xb8;
	[tilespmem:$0x18800] =	vst v63  }
0x2cc: {  	s23 =	simm.s32 $0xF000  }
0x2cd: {  	[tilespmem:s23], [sflag:$0x1] =	stream.indirect_vreg.gather [hbm4b:s5+s3], $0x80, v3, vm0, $0xb8;
	[tilespmem:$0x18800] =	vst v63  }
0x2ce: {  	s22 =	simm.s32 $0xF800  }
0x2cf: {  	[tilespmem:s22], [sflag:$0x1] =	stream.indirect_vreg.gather [hbm4b:s6+s3], $0x80, v3, vm0, $0xb8;
	[tilespmem:$0x18800] =	vst v63  }
0x2d0: {  	s23 =	simm.s32 $0x10000  }
0x2d1: {  	[tilespmem:s23], [sflag:$0x1] =	stream.indirect_vreg.gather [hbm4b:s7+s3], $0x80, v3, vm0, $0xb8;
	[tilespmem:$0x18800] =	vst v63  }
0x2d2: {  	s0 =	rddreg [dreg:$0xf]  }
0x2d3: {  	[hbm4b:s0+s3] =	stream.linear.scatter [tilespmem:s4], [sflag:$0x2], $0x8000, $0x38;
	[tilespmem:$0x18800] =	vst v63  }
0x2d4: {  	_ =	swait.ge [sflag:s9], $0x8000  }
0x2d5: {  	[sflag:s9] =	ssyncset.done $0x0  }
0x2d6: {  	[sflag:s9] =	ssyncadd.s32 $0xFFFF8000  }
0x2d7: {  	_ =	swait.ge [sflag:s1], $0x8000  }
0x2d8: {  	[sflag:s1] =	ssyncset.done $0x0  }
0x2d9: {  	[sflag:s1] =	ssyncadd.s32 $0xFFFF8000  }
0x2da: {  	v3 =	vld [tilespmem:$0x700];
	_ =	sdelay $0x4  }
0x2db: {  	v60 =	vshll.u32 v3, $0x3  }
0x2dc: {  	v3 =	vand.u32 $0x7, v3;
	v4 =	vand.u32 $0xFFFFFFC0, v60  }
0x2dd: {  	v3 =	vor.u32 v3, v4  }
0x2de: {  	v4 =	vperm.xlane v3, v0;
	_ =	sdelay $0x1  }
0x2df: {  	v4 =	vadd.s32 v1, v4;
	_ =	sdelay $0x4  }
0x2e0: {  	[tilespmem:s4], [sflag:$0x1] =	stream.indirect_vreg.gather [hbm4b:s2+s3], $0x80, v4, vm0, $0xb8;
	[tilespmem:$0x18800] =	vst v63  }
0x2e1: {  	s22 =	simm.s32 $0x11000;
	v3 =	vperm.xlane v3, v2  }
0x2e2: {  	[tilespmem:s22], [sflag:$0x1] =	stream.indirect_vreg.gather [hbm4b:s5+s3], $0x80, v4, vm0, $0xb8;
	[tilespmem:$0x18800] =	vst v63  }
0x2e3: {  	s29 =	simm.s32 $0x11800;
	v3 =	vadd.s32 v1, v3  }
0x2e4: {  	[tilespmem:s29], [sflag:$0x1] =	stream.indirect_vreg.gather [hbm4b:s6+s3], $0x80, v4, vm0, $0xb8;
	[tilespmem:$0x18800] =	vst v63  }
0x2e5: {  	s24 =	simm.s32 $0x12000  }
0x2e6: {  	[tilespmem:s24], [sflag:$0x1] =	stream.indirect_vreg.gather [hbm4b:s7+s3], $0x80, v4, vm0, $0xb8;
	[tilespmem:$0x18800] =	vst v63  }
0x2e7: {  	s11 =	simm.s32 $0x12800  }
0x2e8: {  	[tilespmem:s11], [sflag:$0x1] =	stream.indirect_vreg.gather [hbm4b:s2+s3], $0x80, v3, vm0, $0xb8;
	[tilespmem:$0x18800] =	vst v63  }
0x2e9: {  	s23 =	simm.s32 $0x13000  }
0x2ea: {  	[tilespmem:s23], [sflag:$0x1] =	stream.indirect_vreg.gather [hbm4b:s5+s3], $0x80, v3, vm0, $0xb8;
	[tilespmem:$0x18800] =	vst v63  }
0x2eb: {  	s24 =	simm.s32 $0x13800  }
0x2ec: {  	[tilespmem:s24], [sflag:$0x1] =	stream.indirect_vreg.gather [hbm4b:s6+s3], $0x80, v3, vm0, $0xb8;
	[tilespmem:$0x18800] =	vst v63  }
0x2ed: {  	s29 =	simm.s32 $0x14000  }
0x2ee: {  	[tilespmem:s29], [sflag:$0x1] =	stream.indirect_vreg.gather [hbm4b:s7+s3], $0x80, v3, vm0, $0xb8;
	[tilespmem:$0x18800] =	vst v63  }
0x2ef: {  	v3 =	vld [tilespmem:$0x710];
	_ =	sdelay $0x4  }
0x2f0: {  	v61 =	vshll.u32 v3, $0x3  }
0x2f1: {  	v3 =	vand.u32 $0x7, v3;
	v4 =	vand.u32 $0xFFFFFFC0, v61  }
0x2f2: {  	v3 =	vor.u32 v3, v4  }
0x2f3: {  	v4 =	vperm.xlane v3, v0;
	_ =	sdelay $0x1  }
0x2f4: {  	v4 =	vadd.s32 v1, v4;
	_ =	sdelay $0x3  }
0x2f5: {  	s11 =	simm.s32 $0x14800  }
0x2f6: {  	[tilespmem:s11], [sflag:$0x1] =	stream.indirect_vreg.gather [hbm4b:s2+s3], $0x80, v4, vm0, $0xb8;
	[tilespmem:$0x18800] =	vst v63  }
0x2f7: {  	s22 =	simm.s32 $0x15000;
	v3 =	vperm.xlane v3, v2  }
0x2f8: {  	[tilespmem:s22], [sflag:$0x1] =	stream.indirect_vreg.gather [hbm4b:s5+s3], $0x80, v4, vm0, $0xb8;
	[tilespmem:$0x18800] =	vst v63  }
0x2f9: {  	s23 =	simm.s32 $0x15800;
	v3 =	vadd.s32 v1, v3  }
0x2fa: {  	[tilespmem:s23], [sflag:$0x1] =	stream.indirect_vreg.gather [hbm4b:s6+s3], $0x80, v4, vm0, $0xb8;
	[tilespmem:$0x18800] =	vst v63  }
0x2fb: {  	s24 =	simm.s32 $0x16000  }
0x2fc: {  	[tilespmem:s24], [sflag:$0x1] =	stream.indirect_vreg.gather [hbm4b:s7+s3], $0x80, v4, vm0, $0xb8;
	[tilespmem:$0x18800] =	vst v63  }
0x2fd: {  	s29 =	simm.s32 $0x16800  }
0x2fe: {  	[tilespmem:s29], [sflag:$0x1] =	stream.indirect_vreg.gather [hbm4b:s2+s3], $0x80, v3, vm0, $0xb8;
	[tilespmem:$0x18800] =	vst v63  }
0x2ff: {  	s11 =	simm.s32 $0x17000  }
0x300: {  	[tilespmem:s11], [sflag:$0x1] =	stream.indirect_vreg.gather [hbm4b:s5+s3], $0x80, v3, vm0, $0xb8;
	[tilespmem:$0x18800] =	vst v63  }
0x301: {  	s22 =	simm.s32 $0x17800  }
0x302: {  	[tilespmem:s22], [sflag:$0x1] =	stream.indirect_vreg.gather [hbm4b:s6+s3], $0x80, v3, vm0, $0xb8;
	[tilespmem:$0x18800] =	vst v63  }
0x303: {  	s21 =	simm.s32 $0x18000  }
0x304: {  	[tilespmem:s21], [sflag:$0x1] =	stream.indirect_vreg.gather [hbm4b:s7+s3], $0x80, v3, vm0, $0xb8;
	[tilespmem:$0x18800] =	vst v63  }
0x305: {  	s23 =	rddreg [dreg:$0x10]  }
0x306: {  	[hbm4b:s23+s3] =	stream.linear.scatter [tilespmem:s10], [sflag:$0x2], $0x8000, $0x38;
	[tilespmem:$0x18800] =	vst v63  }
0x307: {  	_ =	swait.ge [sflag:s9], $0x8000  }
0x308: {  	[sflag:s9] =	ssyncset.done $0x0  }
0x309: {  	[sflag:s9] =	ssyncadd.s32 $0xFFFF8000  }
0x30a: {  	_ =	swait.ge [sflag:s1], $0x8000  }
0x30b: {  	[sflag:s1] =	ssyncset.done $0x0  }
0x30c: {  	[sflag:s1] =	ssyncadd.s32 $0xFFFF8000  }
0x30d: {  	v3 =	vld [tilespmem:$0x780];
	_ =	sdelay $0x4  }
0x30e: {  	v62 =	vshll.u32 v3, $0x3  }
0x30f: {  	v3 =	vand.u32 $0x7, v3;
	v4 =	vand.u32 $0xFFFFFFC0, v62  }
0x310: {  	v3 =	vor.u32 v3, v4  }
0x311: {  	v4 =	vperm.xlane v3, v0;
	_ =	sdelay $0x1  }
0x312: {  	v4 =	vadd.s32 v1, v4;
	_ =	sdelay $0x4  }
0x313: {  	[tilespmem:s10], [sflag:$0x1] =	stream.indirect_vreg.gather [hbm4b:s2+s3], $0x80, v4, vm0, $0xb8;
	[tilespmem:$0x18800] =	vst v63  }
0x314: {  	s15 =	simm.s32 $0x1000;
	v3 =	vperm.xlane v3, v2  }
0x315: {  	[tilespmem:s15], [sflag:$0x1] =	stream.indirect_vreg.gather [hbm4b:s5+s3], $0x80, v4, vm0, $0xb8;
	[tilespmem:$0x18800] =	vst v63  }
0x316: {  	s20 =	simm.s32 $0x1800;
	v3 =	vadd.s32 v1, v3  }
0x317: {  	[tilespmem:s20], [sflag:$0x1] =	stream.indirect_vreg.gather [hbm4b:s6+s3], $0x80, v4, vm0, $0xb8;
	[tilespmem:$0x18800] =	vst v63  }
0x318: {  	s26 =	simm.s32 $0x2000  }
0x319: {  	[tilespmem:s26], [sflag:$0x1] =	stream.indirect_vreg.gather [hbm4b:s7+s3], $0x80, v4, vm0, $0xb8;
	[tilespmem:$0x18800] =	vst v63  }
0x31a: {  	s30 =	simm.s32 $0x2800  }
0x31b: {  	[tilespmem:s30], [sflag:$0x1] =	stream.indirect_vreg.gather [hbm4b:s2+s3], $0x80, v3, vm0, $0xb8;
	[tilespmem:$0x18800] =	vst v63  }
0x31c: {  	s24 =	simm.s32 $0x3000  }
0x31d: {  	[tilespmem:s24], [sflag:$0x1] =	stream.indirect_vreg.gather [hbm4b:s5+s3], $0x80, v3, vm0, $0xb8;
	[tilespmem:$0x18800] =	vst v63  }
0x31e: {  	s26 =	simm.s32 $0x3800  }
0x31f: {  	[tilespmem:s26], [sflag:$0x1] =	stream.indirect_vreg.gather [hbm4b:s6+s3], $0x80, v3, vm0, $0xb8;
	[tilespmem:$0x18800] =	vst v63  }
0x320: {  	s16 =	simm.s32 $0x4000  }
0x321: {  	[tilespmem:s16], [sflag:$0x1] =	stream.indirect_vreg.gather [hbm4b:s7+s3], $0x80, v3, vm0, $0xb8;
	[tilespmem:$0x18800] =	vst v63  }
0x322: {  	v3 =	vld [tilespmem:$0x790];
	_ =	sdelay $0x4  }
0x323: {  	v63 =	vshll.u32 v3, $0x3  }
0x324: {  	v3 =	vand.u32 $0x7, v3;
	v4 =	vand.u32 $0xFFFFFFC0, v63  }
0x325: {  	v3 =	vor.u32 v3, v4  }
0x326: {  	v4 =	vperm.xlane v3, v0;
	_ =	sdelay $0x1  }
0x327: {  	v4 =	vadd.s32 v1, v4;
	_ =	sdelay $0x3  }
0x328: {  	s17 =	simm.s32 $0x4800  }
0x329: {  	[tilespmem:s17], [sflag:$0x1] =	stream.indirect_vreg.gather [hbm4b:s2+s3], $0x80, v4, vm0, $0xb8;
	[tilespmem:$0x18800] =	vst v63  }
0x32a: {  	s18 =	simm.s32 $0x5000;
	v3 =	vperm.xlane v3, v2  }
0x32b: {  	[tilespmem:s18], [sflag:$0x1] =	stream.indirect_vreg.gather [hbm4b:s5+s3], $0x80, v4, vm0, $0xb8;
	[tilespmem:$0x18800] =	vst v63  }
0x32c: {  	s31 =	simm.s32 $0x5800;
	v3 =	vadd.s32 v1, v3  }
0x32d: {  	[tilespmem:s31], [sflag:$0x1] =	stream.indirect_vreg.gather [hbm4b:s6+s3], $0x80, v4, vm0, $0xb8;
	[tilespmem:$0x18800] =	vst v63  }
0x32e: {  	s25 =	simm.s32 $0x6000  }
0x32f: {  	[tilespmem:s25], [sflag:$0x1] =	stream.indirect_vreg.gather [hbm4b:s7+s3], $0x80, v4, vm0, $0xb8;
	[tilespmem:$0x18800] =	vst v63  }
0x330: {  	s19 =	simm.s32 $0x6800  }
0x331: {  	[tilespmem:s19], [sflag:$0x1] =	stream.indirect_vreg.gather [hbm4b:s2+s3], $0x80, v3, vm0, $0xb8;
	[tilespmem:$0x18800] =	vst v63  }
0x332: {  	s12 =	simm.s32 $0x7000  }
0x333: {  	[tilespmem:s12], [sflag:$0x1] =	stream.indirect_vreg.gather [hbm4b:s5+s3], $0x80, v3, vm0, $0xb8;
	[tilespmem:$0x18800] =	vst v63  }
0x334: {  	s13 =	simm.s32 $0x7800  }
0x335: {  	[tilespmem:s13], [sflag:$0x1] =	stream.indirect_vreg.gather [hbm4b:s6+s3], $0x80, v3, vm0, $0xb8;
	[tilespmem:$0x18800] =	vst v63  }
0x336: {  	s14 =	simm.s32 $0x8000  }
0x337: {  	[tilespmem:s14], [sflag:$0x1] =	stream.indirect_vreg.gather [hbm4b:s7+s3], $0x80, v3, vm0, $0xb8;
	[tilespmem:$0x18800] =	vst v63  }
0x338: {  	s29 =	rddreg [dreg:$0x11]  }
0x339: {  	[hbm4b:s29+s3] =	stream.linear.scatter [tilespmem:s28], [sflag:$0x2], $0x8000, $0x38;
	[tilespmem:$0x18800] =	vst v63  }
0x33a: {  	_ =	swait.ge [sflag:s9], $0x8000  }
0x33b: {  	[sflag:s9] =	ssyncset.done $0x0  }
0x33c: {  	s30 =	rddreg [dreg:$0x12];
	[sflag:s9] =	ssyncadd.s32 $0xFFFF8000  }
0x33d: {  	[hbm4b:s30+s3] =	stream.linear.scatter [tilespmem:s4], [sflag:$0x2], $0x8000, $0x38;
	[tilespmem:$0x18800] =	vst v63  }
0x33e: {  	_ =	swait.ge [sflag:s9], $0x8000  }
0x33f: {  	[sflag:s9] =	ssyncset.done $0x0  }
0x340: {  	s31 =	rddreg [dreg:$0x13];
	[sflag:s9] =	ssyncadd.s32 $0xFFFF8000  }
0x341: {  	[hbm4b:s31+s3] =	stream.linear.scatter [tilespmem:s10], [sflag:$0x2], $0x8000, $0x38;
	[tilespmem:$0x18800] =	vst v63  }
0x342: {  	_ =	swait.ge [sflag:s1], $0x8000  }
0x343: {  	[sflag:s1] =	ssyncset.done $0x0  }
0x344: {  	[sflag:s1] =	ssyncadd.s32 $0xFFFF8000  }
0x345: {  	p0 =	sne.s32 s8, $0x1;
	_ =	swait.ge [sflag:s1], $0x8000  }
.Ltmp0:
0x346: {  	[sflag:s1] =	ssyncset.done $0x0;
	(pc) =	sbr.rel @p0 .LBB2_1-.Ltmp0, $4  }
0x347: {  	[sflag:s1] =	ssyncadd.s32 $0xFFFF8000  }
0x348: {  	_ =	swait.ge [sflag:s1], $0x8000  }
0x349: {  	[sflag:s1] =	ssyncset.done $0x0  }
0x34a: {  	s8 =	sadd.s32 $0xFFFFFFFF, s8;
	[sflag:s1] =	ssyncadd.s32 $0xFFFF8000  }
0x34b: {  	_ =	sfence.sel $0x180000  }
0x34c: {  	[bflag:$0x0] =	sbarrier.arrive $0xFFFF  }
0x34d: {  	_ =	strace $0x90000047  }
0x34e: {  	s0 =	stileid.u32;
	[bflag:$0x2] =	sbarrier.arrive $0xFFFF  }
0x34f: {  	p0 =	sne.s32 s0, $0x0;
	s0 =	rddreg [dreg:$0x3]  }
0x350: {  	s0 =	sadd.s32 @!p0 $0x100000, s0  }
0x351: {  	[sflag:s0] =	ssyncadd.tile.s32 @!p0 $0x1;
	_ =	shalt  }
.Lfunc_end2:
_tile_overlayer_lowered:
.L_overlay_start_2:
0x352: {  	(tag) =	ssettag $0x2  }
0x353: {  	s0 =	rddreg [dreg:$0x0];
	s2 =	stileid.u32  }
0x354: {  	s1 =	rddreg [dreg:$0x1];
	p0 =	sne.s32 s2, $0x0  }
0x355: {  	s3 =	rddreg [dreg:$0x2];
	[bflag:$0x3] =	sbarrier.arrive $0xFFFF;
	s2 =	simm.s32 @!p0 $0x1C03  }
0x356: {  	[timem:s3], [sflag:s2] =	dma.local @!p0 [hbm:s0], s1  }
0x357: {  	s0 =	simm.s32 @!p0 $0x3  }
0x358: {  	_ =	swait.ge @!p0 [sflag:s0], s1  }
0x359: {  	s1 =	ssub.s32 @!p0 $0x0, s1;
	[sflag:s0] =	ssyncset.done @!p0 $0x0  }
0x35a: {  	[sflag:s0] =	ssyncadd.s32 @!p0 s1  }
0x35b: {  	[bflag:$0x3] =	sbarrier.arrive $0xFFFF  }
0x35c: {  	_ =	shalt  }

</sc_bundles>
